<compile_context>
chip_gen: v7x
topology: tpu7x:2x2x1
jax: 0.10.2.dev20260603
libtpu: 0.0.44.dev20260713+nightly
codegen_flags: <defaults>
</compile_context>

<pallas_src>
import jax
import jax.numpy as jnp
from jax.experimental import pallas as pl
from jax.experimental.pallas import tpu as pltpu

_CONF_THRES = 0.25
_IOU_THRES = 0.45
_MAX_DET = 300
_MAX_WH = 4096.0

_BLK = 128


def _prep_kernel(x_ref, det_ref):
    x = x_ref[...]
    xc, yc = x[:, 0:1], x[:, 1:2]
    w, h = x[:, 2:3], x[:, 3:4]
    obj = x[:, 4:5]
    cls = x[:, 5:85]
    cls_conf = cls * obj
    conf = jnp.max(cls_conf, axis=1, keepdims=True)
    cidx = jax.lax.broadcasted_iota(jnp.int32, cls_conf.shape, 1)
    j = jnp.min(jnp.where(cls_conf == conf, cidx, 1 << 30), axis=1,
                keepdims=True)
    jf = j.astype(jnp.float32)
    valid = (obj > _CONF_THRES) & (conf > _CONF_THRES)
    x1 = xc - w / 2
    y1 = yc - h / 2
    x2 = xc + w / 2
    y2 = yc + h / 2
    off = jf * _MAX_WH
    score = jnp.where(valid, conf, -jnp.inf)
    det_ref[:, 0:1] = x1
    det_ref[:, 1:2] = y1
    det_ref[:, 2:3] = x2
    det_ref[:, 3:4] = y2
    det_ref[:, 4:5] = conf
    det_ref[:, 5:6] = jf
    det_ref[:, 6:7] = score
    det_ref[:, 7:8] = jnp.where(valid, 1.0, 0.0)
    det_ref[:, 8:9] = x1 + off
    det_ref[:, 9:10] = y1 + off
    det_ref[:, 10:11] = x2 + off
    det_ref[:, 11:12] = y2 + off
    det_ref[:, 12:16] = jnp.zeros_like(x[:, 12:16])


def _nms_kernel(nvb_ref, boxes_ref, boxesT_ref, keep_ref, keep_scr, sup_scr):
    t = pl.program_id(0)

    @pl.when(t == 0)
    def _init():
        keep_scr[...] = jnp.zeros_like(keep_scr)

    @pl.when(t >= nvb_ref[0])
    def _inactive():
        keep_ref[...] = jnp.zeros_like(keep_ref)

    @pl.when(t < nvb_ref[0])
    def _active():
        _nms_block(t, boxes_ref, boxesT_ref, keep_ref, keep_scr, sup_scr)


def _nms_block(t, boxes_ref, boxesT_ref, keep_ref, keep_scr, sup_scr):
    base = t * _BLK
    cx1 = boxesT_ref[0:1, pl.ds(base, _BLK)]
    cy1 = boxesT_ref[1:2, pl.ds(base, _BLK)]
    cx2 = boxesT_ref[2:3, pl.ds(base, _BLK)]
    cy2 = boxesT_ref[3:4, pl.ds(base, _BLK)]
    carea = (cx2 - cx1) * (cy2 - cy1)

    def iou_vs_block(pbase):
        px1 = boxes_ref[pl.ds(pbase, _BLK), 0:1]
        py1 = boxes_ref[pl.ds(pbase, _BLK), 1:2]
        px2 = boxes_ref[pl.ds(pbase, _BLK), 2:3]
        py2 = boxes_ref[pl.ds(pbase, _BLK), 3:4]
        parea = (px2 - px1) * (py2 - py1)
        iw = jnp.maximum(jnp.minimum(px2, cx2) - jnp.maximum(px1, cx1), 0.0)
        ih = jnp.maximum(jnp.minimum(py2, cy2) - jnp.maximum(py1, cy1), 0.0)
        inter = iw * ih
        return inter / (parea + carea - inter + 1e-7)

    def prefix_body(tc, acc):
        pbase = tc * _BLK
        kprev = keep_scr[pl.ds(pbase, _BLK), :]
        sup = jnp.where(iou_vs_block(pbase) > _IOU_THRES, 1.0, 0.0) * kprev
        return jnp.maximum(acc, jnp.max(sup, axis=0, keepdims=True))

    sup_prefix = jax.lax.fori_loop(
        0, t, prefix_body, jnp.zeros((1, _BLK), jnp.float32))

    iou_l = iou_vs_block(base)
    ri = jax.lax.broadcasted_iota(jnp.int32, (_BLK, _BLK), 0)
    ci = jax.lax.broadcasted_iota(jnp.int32, (_BLK, _BLK), 1)
    sup_scr[...] = jnp.where((iou_l > _IOU_THRES) & (ri < ci), 1.0, 0.0)

    keep_r = 1.0 - sup_prefix
    for jj in range(_BLK - 1):
        kj = keep_r[0, jj]
        row = sup_scr[jj, :].reshape(1, _BLK)
        keep_r = keep_r * (1.0 - row * kj)

    keep_scr[pl.ds(base, _BLK), :] = keep_r.reshape(_BLK, 1)
    keep_ref[...] = keep_r.reshape(1, 1, _BLK)


def _nms_single(x):
    n = x.shape[0]
    npad = ((n + _BLK - 1) // _BLK) * _BLK
    nblk = npad // _BLK

    xpad = jnp.zeros((npad, 128), jnp.float32)
    xpad = xpad.at[:n, :85].set(x)

    det = pl.pallas_call(
        _prep_kernel,
        grid=(nblk,),
        in_specs=[pl.BlockSpec((_BLK, 128), lambda t: (t, 0))],
        out_specs=pl.BlockSpec((_BLK, 16), lambda t: (t, 0)),
        out_shape=jax.ShapeDtypeStruct((npad, 16), jnp.float32),
    )(xpad)

    order = jnp.argsort(-det[:, 6])
    dets = det[order]
    boxes_s = dets[:, 8:12]

    nvalid = jnp.sum(det[:, 7]).astype(jnp.int32)
    nvb = (nvalid + _BLK - 1) // _BLK

    keepf = pl.pallas_call(
        _nms_kernel,
        grid_spec=pltpu.PrefetchScalarGridSpec(
            num_scalar_prefetch=1,
            grid=(nblk,),
            in_specs=[
                pl.BlockSpec((npad, 4), lambda t, nvb_ref: (0, 0)),
                pl.BlockSpec((4, npad), lambda t, nvb_ref: (0, 0)),
            ],
            out_specs=pl.BlockSpec((1, 1, _BLK), lambda t, nvb_ref: (t, 0, 0)),
            scratch_shapes=[
                pltpu.VMEM((npad, 1), jnp.float32),
                pltpu.VMEM((_BLK, _BLK), jnp.float32),
            ],
        ),
        out_shape=jax.ShapeDtypeStruct((nblk, 1, _BLK), jnp.float32),
    )(nvb.reshape(1), boxes_s, boxes_s.T)

    kept = (keepf.reshape(npad) > 0.5) & (dets[:, 7] > 0.5)
    rank = jnp.cumsum(kept.astype(jnp.int32)) - 1
    pos = jnp.where(kept & (rank < _MAX_DET), rank, _MAX_DET)
    buf = jnp.zeros((_MAX_DET + 1, 6), jnp.float32).at[pos].set(dets[:, 0:6])
    return buf[:_MAX_DET]


def kernel(prediction):
    outs = [_nms_single(prediction[bi]) for bi in range(prediction.shape[0])]
    return jnp.stack(outs, axis=0)

# --- scband reference (transcript-rebuilt; emitter-appended) ---
"""Pipeline reference for scband-yolo-v5-89850715832617 (READ-ONLY COPY).

The authoritative reference and input builder live on the scoring server;
editing this copy changes nothing except your own understanding.
"""

import jax, jax.numpy as jnp
import numpy as np

CONF_THRES = 0.25
IOU_THRES = 0.45
MAX_DET = 300
MAX_WH = 4096.0
MAX_NMS = 30000


def setup_inputs(seed: int = 0):
    key = jax.random.key(seed)
    prediction = jax.random.uniform(key, (1, 5000, 85), dtype=jnp.float32)
    return {"prediction": prediction}


def xywh2xyxy(x):
    return jnp.stack([
        x[:, 0] - x[:, 2] / 2,
        x[:, 1] - x[:, 3] / 2,
        x[:, 0] + x[:, 2] / 2,
        x[:, 1] + x[:, 3] / 2,
    ], axis=1)


def box_iou(a, b):
    area_a = (a[:, 2] - a[:, 0]) * (a[:, 3] - a[:, 1])
    area_b = (b[:, 2] - b[:, 0]) * (b[:, 3] - b[:, 1])
    lt = jnp.maximum(a[:, None, :2], b[None, :, :2])
    rb = jnp.minimum(a[:, None, 2:], b[None, :, 2:])
    wh = jnp.maximum(rb - lt, 0.0)
    inter = wh[..., 0] * wh[..., 1]
    return inter / (area_a[:, None] + area_b[None, :] - inter + 1e-7)


def greedy_nms(boxes, scores, iou_thres):
    n = boxes.shape[0]
    order = jnp.argsort(-scores)
    b = boxes[order]
    iou = box_iou(b, b)
    tri = jnp.triu(jnp.ones((n, n), dtype=bool), k=1)
    sup = (iou > iou_thres) & tri

    def body(i, keep):
        row = jnp.where(keep[i], sup[i], jnp.zeros((n,), dtype=bool))
        return keep & (~row)

    keep = jax.lax.fori_loop(0, n, body, jnp.ones((n,), dtype=bool))
    return order, keep


def _nms_indices(x):
    # x: [N, 85] -> (sorted order over N, class ids over N, kept mask in sorted order)
    N = x.shape[0]
    obj = x[:, 4]
    cls_conf = x[:, 5:] * x[:, 4:5]
    conf = jnp.max(cls_conf, axis=1)
    j = jnp.argmax(cls_conf, axis=1)
    valid = (obj > CONF_THRES) & (conf > CONF_THRES)
    boxes = xywh2xyxy(x[:, :4])
    c = j.astype(jnp.float32)[:, None] * MAX_WH  # class-agnostic=False offset
    scores = jnp.where(valid, conf, -jnp.inf)
    order, keep = greedy_nms(boxes + c, scores, IOU_THRES)
    kept = keep & valid[order]
    return order, j, kept


def reference(prediction):
    # Returns [B, MAX_DET, 6] (xyxy, conf, cls), zero-padded, matching
    # non_max_suppression semantics (multi_label=False, agnostic=False).
    B = prediction.shape[0]
    outs = []
    for bi in range(B):
        x = prediction[bi]
        order, j_full, kept = _nms_indices(x)
        rows = x[order]
        jj = j_full[order]
        box = xywh2xyxy(rows[:, :4])
        conf = rows[:, 4] * jnp.take_along_axis(rows[:, 5:], jj[:, None], axis=1)[:, 0]
        det = jnp.concatenate([box, conf[:, None], jj.astype(jnp.float32)[:, None]], axis=1)
        rank = jnp.cumsum(kept.astype(jnp.int32)) - 1
        pos = jnp.where(kept & (rank < MAX_DET), rank, MAX_DET)
        buf = jnp.zeros((MAX_DET + 1, 6), dtype=jnp.float32)
        buf = buf.at[pos].set(det)
        outs.append(buf[:MAX_DET])
    return jnp.stack(outs, axis=0)

if __name__ == "__main__":
    import jax
    _d = setup_inputs()
    print(jax.jit(kernel)(*tuple(_d.values())))

</pallas_src>

<mosaic_0001>
module attributes {stable_mosaic.version = 14 : i64} {
  func.func @_prep_kernel(%arg0: i32, %arg1: memref<128x128xf32, #tpu.memory_space<vmem>>, %arg2: memref<128x16xf32, #tpu.memory_space<vmem>>) attributes {dimension_semantics = [#tpu.dimension_semantics<arbitrary>], iteration_bounds = array<i64: 40>, scalar_prefetch = 0 : i64, scratch_operands = 0 : i64, tpu.core_type = #tpu.core_type<tc>, window_params = [{transform_indices = @transform_0, window_bounds = array<i64: 128, 128>}, {transform_indices = @transform_1, window_bounds = array<i64: 128, 16>}]} {
    %get3A = arith.constant 0 : index
    %get3A_0 = arith.constant 0 : index
    %get3A_1 = vector.load %arg1[%get3A, %get3A_0] : memref<128x128xf32, #tpu.memory_space<vmem>>, vector<128x128xf32>
    %slice3A = vector.extract_strided_slice %get3A_1 {offsets = [0, 0], sizes = [128, 1], strides = [1, 1]} : vector<128x128xf32> to vector<128x1xf32>
    %slice3A_2 = vector.extract_strided_slice %get3A_1 {offsets = [0, 1], sizes = [128, 1], strides = [1, 1]} : vector<128x128xf32> to vector<128x1xf32>
    %slice3A_3 = vector.extract_strided_slice %get3A_1 {offsets = [0, 2], sizes = [128, 1], strides = [1, 1]} : vector<128x128xf32> to vector<128x1xf32>
    %slice3A_4 = vector.extract_strided_slice %get3A_1 {offsets = [0, 3], sizes = [128, 1], strides = [1, 1]} : vector<128x128xf32> to vector<128x1xf32>
    %slice3A_5 = vector.extract_strided_slice %get3A_1 {offsets = [0, 4], sizes = [128, 1], strides = [1, 1]} : vector<128x128xf32> to vector<128x1xf32>
    %slice3A_6 = vector.extract_strided_slice %get3A_1 {offsets = [0, 5], sizes = [128, 80], strides = [1, 1]} : vector<128x128xf32> to vector<128x80xf32>
    %mul3A = vector.broadcast %slice3A_5 : vector<128x1xf32> to vector<128x80xf32>
    %mul3A_7 = arith.mulf %slice3A_6, %mul3A : vector<128x80xf32>
    %reduce_max3A = arith.constant dense<0xFF800000> : vector<128xf32>
    %reduce_max3A_8 = vector.multi_reduction <maximumf>, %mul3A_7, %reduce_max3A [1] : vector<128x80xf32> to vector<128xf32>
    %broadcast_in_dim3A = vector.shape_cast %reduce_max3A_8 : vector<128xf32> to vector<128x1xf32>
    %iota3A = tpu.iota {dimensions = array<i32: 1>} : vector<128x80xi32>
    %eq3A = vector.broadcast %broadcast_in_dim3A : vector<128x1xf32> to vector<128x80xf32>
    %eq3A_9 = arith.cmpf oeq, %mul3A_7, %eq3A : vector<128x80xf32>
    %jit3A = arith.constant 1073741824 : i32
    %broadcast_in_dim3A_10 = vector.broadcast %jit3A : i32 to vector<128x80xi32>
    %select_n3A = arith.select %eq3A_9, %iota3A, %broadcast_in_dim3A_10 : vector<128x80xi1>, vector<128x80xi32>
    %reduce_min3A = arith.constant dense<2147483647> : vector<128xi32>
    %reduce_min3A_11 = vector.multi_reduction <minsi>, %select_n3A, %reduce_min3A [1] : vector<128x80xi32> to vector<128xi32>
    %broadcast_in_dim3A_12 = vector.shape_cast %reduce_min3A_11 : vector<128xi32> to vector<128x1xi32>
    %convert_element_type3A = arith.sitofp %broadcast_in_dim3A_12 : vector<128x1xi32> to vector<128x1xf32>
    %gt3A = arith.constant 2.500000e-01 : f32
    %gt3A_13 = vector.broadcast %gt3A : f32 to vector<128x1xf32>
    %gt3A_14 = arith.cmpf ogt, %slice3A_5, %gt3A_13 : vector<128x1xf32>
    %gt3A_15 = arith.constant 2.500000e-01 : f32
    %gt3A_16 = vector.broadcast %gt3A_15 : f32 to vector<128x1xf32>
    %gt3A_17 = arith.cmpf ogt, %broadcast_in_dim3A, %gt3A_16 : vector<128x1xf32>
    %and3A = arith.andi %gt3A_14, %gt3A_17 : vector<128x1xi1>
    %div3A = arith.constant 2.000000e+00 : f32
    %div3A_18 = vector.broadcast %div3A : f32 to vector<128x1xf32>
    %div3A_19 = arith.divf %slice3A_3, %div3A_18 : vector<128x1xf32>
    %sub3A = arith.subf %slice3A, %div3A_19 : vector<128x1xf32>
    %div3A_20 = arith.constant 2.000000e+00 : f32
    %div3A_21 = vector.broadcast %div3A_20 : f32 to vector<128x1xf32>
    %div3A_22 = arith.divf %slice3A_4, %div3A_21 : vector<128x1xf32>
    %sub3A_23 = arith.subf %slice3A_2, %div3A_22 : vector<128x1xf32>
    %div3A_24 = arith.constant 2.000000e+00 : f32
    %div3A_25 = vector.broadcast %div3A_24 : f32 to vector<128x1xf32>
    %div3A_26 = arith.divf %slice3A_3, %div3A_25 : vector<128x1xf32>
    %add3A = arith.addf %slice3A, %div3A_26 : vector<128x1xf32>
    %div3A_27 = arith.constant 2.000000e+00 : f32
    %div3A_28 = vector.broadcast %div3A_27 : f32 to vector<128x1xf32>
    %div3A_29 = arith.divf %slice3A_4, %div3A_28 : vector<128x1xf32>
    %add3A_30 = arith.addf %slice3A_2, %div3A_29 : vector<128x1xf32>
    %mul3A_31 = arith.constant 4.096000e+03 : f32
    %mul3A_32 = vector.broadcast %mul3A_31 : f32 to vector<128x1xf32>
    %mul3A_33 = arith.mulf %convert_element_type3A, %mul3A_32 : vector<128x1xf32>
    %jit3A_34 = arith.constant 0xFF800000 : f32
    %broadcast_in_dim3A_35 = vector.broadcast %jit3A_34 : f32 to vector<128x1xf32>
    %select_n3A_36 = arith.select %and3A, %broadcast_in_dim3A, %broadcast_in_dim3A_35 : vector<128x1xi1>, vector<128x1xf32>
    %swap3A = arith.constant 0 : index
    %swap3A_37 = arith.constant 0 : index
    %swap3A_38 = vector.load %arg2[%swap3A, %swap3A_37] : memref<128x16xf32, #tpu.memory_space<vmem>>, vector<128x1xf32>
    tpu.vector_store %arg2[%swap3A, %swap3A_37], %sub3A {strides = array<i32>} : memref<128x16xf32, #tpu.memory_space<vmem>>, vector<128x1xf32>,
    %swap3A_39 = arith.constant 0 : index
    %swap3A_40 = arith.constant 1 : index
    %swap3A_41 = vector.load %arg2[%swap3A_39, %swap3A_40] : memref<128x16xf32, #tpu.memory_space<vmem>>, vector<128x1xf32>
    tpu.vector_store %arg2[%swap3A_39, %swap3A_40], %sub3A_23 {strides = array<i32>} : memref<128x16xf32, #tpu.memory_space<vmem>>, vector<128x1xf32>,
    %swap3A_42 = arith.constant 0 : index
    %swap3A_43 = arith.constant 2 : index
    %swap3A_44 = vector.load %arg2[%swap3A_42, %swap3A_43] : memref<128x16xf32, #tpu.memory_space<vmem>>, vector<128x1xf32>
    tpu.vector_store %arg2[%swap3A_42, %swap3A_43], %add3A {strides = array<i32>} : memref<128x16xf32, #tpu.memory_space<vmem>>, vector<128x1xf32>,
    %swap3A_45 = arith.constant 0 : index
    %swap3A_46 = arith.constant 3 : index
    %swap3A_47 = vector.load %arg2[%swap3A_45, %swap3A_46] : memref<128x16xf32, #tpu.memory_space<vmem>>, vector<128x1xf32>
    tpu.vector_store %arg2[%swap3A_45, %swap3A_46], %add3A_30 {strides = array<i32>} : memref<128x16xf32, #tpu.memory_space<vmem>>, vector<128x1xf32>,
    %swap3A_48 = arith.constant 0 : index
    %swap3A_49 = arith.constant 4 : index
    %swap3A_50 = vector.load %arg2[%swap3A_48, %swap3A_49] : memref<128x16xf32, #tpu.memory_space<vmem>>, vector<128x1xf32>
    tpu.vector_store %arg2[%swap3A_48, %swap3A_49], %broadcast_in_dim3A {strides = array<i32>} : memref<128x16xf32, #tpu.memory_space<vmem>>, vector<128x1xf32>,
    %swap3A_51 = arith.constant 0 : index
    %swap3A_52 = arith.constant 5 : index
    %swap3A_53 = vector.load %arg2[%swap3A_51, %swap3A_52] : memref<128x16xf32, #tpu.memory_space<vmem>>, vector<128x1xf32>
    tpu.vector_store %arg2[%swap3A_51, %swap3A_52], %convert_element_type3A {strides = array<i32>} : memref<128x16xf32, #tpu.memory_space<vmem>>, vector<128x1xf32>,
    %swap3A_54 = arith.constant 0 : index
    %swap3A_55 = arith.constant 6 : index
    %swap3A_56 = vector.load %arg2[%swap3A_54, %swap3A_55] : memref<128x16xf32, #tpu.memory_space<vmem>>, vector<128x1xf32>
    tpu.vector_store %arg2[%swap3A_54, %swap3A_55], %select_n3A_36 {strides = array<i32>} : memref<128x16xf32, #tpu.memory_space<vmem>>, vector<128x1xf32>,
    %jit3A_57 = arith.constant 1.000000e+00 : f32
    %jit3A_58 = arith.constant 0.000000e+00 : f32
    %broadcast_in_dim3A_59 = vector.broadcast %jit3A_57 : f32 to vector<128x1xf32>
    %broadcast_in_dim3A_60 = vector.broadcast %jit3A_58 : f32 to vector<128x1xf32>
    %select_n3A_61 = arith.select %and3A, %broadcast_in_dim3A_59, %broadcast_in_dim3A_60 : vector<128x1xi1>, vector<128x1xf32>
    %swap3A_62 = arith.constant 0 : index
    %swap3A_63 = arith.constant 7 : index
    %swap3A_64 = vector.load %arg2[%swap3A_62, %swap3A_63] : memref<128x16xf32, #tpu.memory_space<vmem>>, vector<128x1xf32>
    tpu.vector_store %arg2[%swap3A_62, %swap3A_63], %select_n3A_61 {strides = array<i32>} : memref<128x16xf32, #tpu.memory_space<vmem>>, vector<128x1xf32>,
    %add3A_65 = arith.addf %sub3A, %mul3A_33 : vector<128x1xf32>
    %swap3A_66 = arith.constant 0 : index
    %swap3A_67 = arith.constant 8 : index
    %swap3A_68 = vector.load %arg2[%swap3A_66, %swap3A_67] : memref<128x16xf32, #tpu.memory_space<vmem>>, vector<128x1xf32>
    tpu.vector_store %arg2[%swap3A_66, %swap3A_67], %add3A_65 {strides = array<i32>} : memref<128x16xf32, #tpu.memory_space<vmem>>, vector<128x1xf32>,
    %add3A_69 = arith.addf %sub3A_23, %mul3A_33 : vector<128x1xf32>
    %swap3A_70 = arith.constant 0 : index
    %swap3A_71 = arith.constant 9 : index
    %swap3A_72 = vector.load %arg2[%swap3A_70, %swap3A_71] : memref<128x16xf32, #tpu.memory_space<vmem>>, vector<128x1xf32>
    tpu.vector_store %arg2[%swap3A_70, %swap3A_71], %add3A_69 {strides = array<i32>} : memref<128x16xf32, #tpu.memory_space<vmem>>, vector<128x1xf32>,
    %add3A_73 = arith.addf %add3A, %mul3A_33 : vector<128x1xf32>
    %swap3A_74 = arith.constant 0 : index
    %swap3A_75 = arith.constant 10 : index
    %swap3A_76 = vector.load %arg2[%swap3A_74, %swap3A_75] : memref<128x16xf32, #tpu.memory_space<vmem>>, vector<128x1xf32>
    tpu.vector_store %arg2[%swap3A_74, %swap3A_75], %add3A_73 {strides = array<i32>} : memref<128x16xf32, #tpu.memory_space<vmem>>, vector<128x1xf32>,
    %add3A_77 = arith.addf %add3A_30, %mul3A_33 : vector<128x1xf32>
    %swap3A_78 = arith.constant 0 : index
    %swap3A_79 = arith.constant 11 : index
    %swap3A_80 = vector.load %arg2[%swap3A_78, %swap3A_79] : memref<128x16xf32, #tpu.memory_space<vmem>>, vector<128x1xf32>
    tpu.vector_store %arg2[%swap3A_78, %swap3A_79], %add3A_77 {strides = array<i32>} : memref<128x16xf32, #tpu.memory_space<vmem>>, vector<128x1xf32>,
    %broadcast_in_dim3A_81 = arith.constant 0.000000e+00 : f32
    %broadcast_in_dim3A_82 = vector.broadcast %broadcast_in_dim3A_81 : f32 to vector<128x4xf32>
    %swap3A_83 = arith.constant 0 : index
    %swap3A_84 = arith.constant 12 : index
    %swap3A_85 = vector.load %arg2[%swap3A_83, %swap3A_84] : memref<128x16xf32, #tpu.memory_space<vmem>>, vector<128x4xf32>
    tpu.vector_store %arg2[%swap3A_83, %swap3A_84], %broadcast_in_dim3A_82 {strides = array<i32>} : memref<128x16xf32, #tpu.memory_space<vmem>>, vector<128x4xf32>,
    return
  }
  func.func @transform_0(%arg0: i32) -> (i32, i32) {
    %c0_i32 = arith.constant 0 : i32
    %c0_i32_0 = arith.constant 0 : i32
    return %arg0, %c0_i32 : i32, i32
  }
  func.func @transform_1(%arg0: i32) -> (i32, i32) {
    %c0_i32 = arith.constant 0 : i32
    %c0_i32_0 = arith.constant 0 : i32
    return %arg0, %c0_i32 : i32, i32
  }
}

module attributes {stable_mosaic.version = 14 : i64} {
  func.func @_nms_kernel(%arg0: i32, %arg1: memref<1xi32, #tpu.memory_space<smem>>, %arg2: memref<5120x4xf32, #tpu.memory_space<vmem>>, %arg3: memref<4x5120xf32, #tpu.memory_space<vmem>>, %arg4: memref<1x1x128xf32, #tpu.memory_space<vmem>>, %arg5: memref<5120x1xf32, #tpu.memory_space<vmem>>, %arg6: memref<128x128xf32, #tpu.memory_space<vmem>>) attributes {dimension_semantics = [#tpu.dimension_semantics<arbitrary>], iteration_bounds = array<i64: 40>, scalar_prefetch = 1 : i64, scratch_operands = 2 : i64, tpu.core_type = #tpu.core_type<tc>, window_params = [{pipeline_mode = #tpu.pipeline_mode<synchronous>, transform_indices = @transform_0, window_bounds = array<i64: 5120, 4>}, {pipeline_mode = #tpu.pipeline_mode<synchronous>, transform_indices = @transform_1, window_bounds = array<i64: 4, 5120>}, {transform_indices = @transform_2, window_bounds = array<i64: 1, 1, 128>}]} {
    %eq3A = arith.constant 0 : i32
    %eq3A_0 = arith.cmpi eq, %arg0, %eq3A : i32
    %convert_element_type3A = arith.extui %eq3A_0 : i1 to i32
    %cond3A = arith.constant 0 : i32
    %cond3A_1 = arith.cmpi ne, %convert_element_type3A, %cond3A : i32
    scf.if %cond3A_1 {
      %broadcast_in_dim3A = arith.constant 0.000000e+00 : f32
      %broadcast_in_dim3A_11 = vector.broadcast %broadcast_in_dim3A : f32 to vector<5120x1xf32>
      %swap3A = arith.constant 0 : index
      %swap3A_12 = arith.constant 0 : index
      %swap3A_13 = vector.load %arg5[%swap3A, %swap3A_12] : memref<5120x1xf32, #tpu.memory_space<vmem>>, vector<5120x1xf32>
      tpu.vector_store %arg5[%swap3A, %swap3A_12], %broadcast_in_dim3A_11 {strides = array<i32>} : memref<5120x1xf32, #tpu.memory_space<vmem>>, vector<5120x1xf32>,
    } else {
    }
    %get3A = arith.constant 0 : index
    %get3A_2 = memref.load %arg1[%get3A] : memref<1xi32, #tpu.memory_space<smem>>
    %ge3A = arith.cmpi sge, %arg0, %get3A_2 : i32
    %convert_element_type3A_3 = arith.extui %ge3A : i1 to i32
    %cond3A_4 = arith.constant 0 : i32
    %cond3A_5 = arith.cmpi ne, %convert_element_type3A_3, %cond3A_4 : i32
    scf.if %cond3A_5 {
      %broadcast_in_dim3A = arith.constant 0.000000e+00 : f32
      %broadcast_in_dim3A_11 = vector.broadcast %broadcast_in_dim3A : f32 to vector<1x1x128xf32>
      %swap3A = arith.constant 0 : index
      %swap3A_12 = arith.constant 0 : index
      %swap3A_13 = arith.constant 0 : index
      %swap3A_14 = vector.load %arg4[%swap3A, %swap3A_12, %swap3A_13] : memref<1x1x128xf32, #tpu.memory_space<vmem>>, vector<1x1x128xf32>
      tpu.vector_store %arg4[%swap3A, %swap3A_12, %swap3A_13], %broadcast_in_dim3A_11 {strides = array<i32>} : memref<1x1x128xf32, #tpu.memory_space<vmem>>, vector<1x1x128xf32>,
    } else {
    }
    %get3A_6 = arith.constant 0 : index
    %get3A_7 = memref.load %arg1[%get3A_6] : memref<1xi32, #tpu.memory_space<smem>>
    %lt3A = arith.cmpi slt, %arg0, %get3A_7 : i32
    %convert_element_type3A_8 = arith.extui %lt3A : i1 to i32
    %cond3A_9 = arith.constant 0 : i32
    %cond3A_10 = arith.cmpi ne, %convert_element_type3A_8, %cond3A_9 : i32
    scf.if %cond3A_10 {
      %mul3A = arith.constant 128 : i32
      %mul3A_11 = arith.muli %arg0, %mul3A : i32
      %get3A_12 = arith.constant 0 : index
      %get3A_13 = arith.index_cast %mul3A_11 : i32 to index
      %get3A_14 = vector.load %arg3[%get3A_12, %get3A_13] : memref<4x5120xf32, #tpu.memory_space<vmem>>, vector<1x128xf32>
      %get3A_15 = arith.constant 1 : index
      %get3A_16 = arith.index_cast %mul3A_11 : i32 to index
      %get3A_17 = vector.load %arg3[%get3A_15, %get3A_16] : memref<4x5120xf32, #tpu.memory_space<vmem>>, vector<1x128xf32>
      %get3A_18 = arith.constant 2 : index
      %get3A_19 = arith.index_cast %mul3A_11 : i32 to index
      %get3A_20 = vector.load %arg3[%get3A_18, %get3A_19] : memref<4x5120xf32, #tpu.memory_space<vmem>>, vector<1x128xf32>
      %get3A_21 = arith.constant 3 : index
      %get3A_22 = arith.index_cast %mul3A_11 : i32 to index
      %get3A_23 = vector.load %arg3[%get3A_21, %get3A_22] : memref<4x5120xf32, #tpu.memory_space<vmem>>, vector<1x128xf32>
      %sub3A = arith.subf %get3A_20, %get3A_14 : vector<1x128xf32>
      %sub3A_24 = arith.subf %get3A_23, %get3A_17 : vector<1x128xf32>
      %mul3A_25 = arith.mulf %sub3A, %sub3A_24 : vector<1x128xf32>
      %broadcast_in_dim3A = arith.constant 0.000000e+00 : f32
      %broadcast_in_dim3A_26 = vector.broadcast %broadcast_in_dim3A : f32 to vector<1x128xf32>
      %while3A = arith.constant 0 : i32
      %while3A_27 = arith.subi %arg0, %while3A : i32
      %while3A_28 = arith.addi %while3A, %while3A_27 : i32
      %while3A_29 = arith.constant 1 : i32
      %while3A_30 = arith.divsi %while3A_27, %while3A_29 : i32
      %while3A_31 = arith.muli %while3A_30, %while3A_29 : i32
      %while3A_32 = arith.addi %while3A, %while3A_31 : i32
      %while3A_33 = arith.constant 1 : i32
      %while3A_34 = scf.for %while3A_1746 = %while3A to %while3A_32 step %while3A_33 iter_args(%while3A_1747 = %broadcast_in_dim3A_26) -> (vector<1x128xf32>)  : i32 {
        %mul3A_1748 = arith.constant 128 : i32
        %mul3A_1749 = arith.muli %while3A_1746, %mul3A_1748 : i32
        %get3A_1750 = arith.index_cast %mul3A_1749 : i32 to index
        %get3A_1751 = arith.constant 0 : index
        %get3A_1752 = vector.load %arg5[%get3A_1750, %get3A_1751] : memref<5120x1xf32, #tpu.memory_space<vmem>>, vector<128x1xf32>
        %get3A_1753 = arith.index_cast %mul3A_1749 : i32 to index
        %get3A_1754 = arith.constant 0 : index
        %get3A_1755 = vector.load %arg2[%get3A_1753, %get3A_1754] : memref<5120x4xf32, #tpu.memory_space<vmem>>, vector<128x1xf32>
        %get3A_1756 = arith.index_cast %mul3A_1749 : i32 to index
        %get3A_1757 = arith.constant 1 : index
        %get3A_1758 = vector.load %arg2[%get3A_1756, %get3A_1757] : memref<5120x4xf32, #tpu.memory_space<vmem>>, vector<128x1xf32>
        %get3A_1759 = arith.index_cast %mul3A_1749 : i32 to index
        %get3A_1760 = arith.constant 2 : index
        %get3A_1761 = vector.load %arg2[%get3A_1759, %get3A_1760] : memref<5120x4xf32, #tpu.memory_space<vmem>>, vector<128x1xf32>
        %get3A_1762 = arith.index_cast %mul3A_1749 : i32 to index
        %get3A_1763 = arith.constant 3 : index
        %get3A_1764 = vector.load %arg2[%get3A_1762, %get3A_1763] : memref<5120x4xf32, #tpu.memory_space<vmem>>, vector<128x1xf32>
        %sub3A_1765 = arith.subf %get3A_1761, %get3A_1755 : vector<128x1xf32>
        %sub3A_1766 = arith.subf %get3A_1764, %get3A_1758 : vector<128x1xf32>
        %mul3A_1767 = arith.mulf %sub3A_1765, %sub3A_1766 : vector<128x1xf32>
        %min3A_1768 = vector.broadcast %get3A_1761 : vector<128x1xf32> to vector<128x128xf32>
        %min3A_1769 = vector.broadcast %get3A_20 : vector<1x128xf32> to vector<128x128xf32>
        %min3A_1770 = arith.minimumf %min3A_1768, %min3A_1769 : vector<128x128xf32>
        %max3A_1771 = vector.broadcast %get3A_1755 : vector<128x1xf32> to vector<128x128xf32>
        %max3A_1772 = vector.broadcast %get3A_14 : vector<1x128xf32> to vector<128x128xf32>
        %max3A_1773 = arith.maximumf %max3A_1771, %max3A_1772 : vector<128x128xf32>
        %sub3A_1774 = arith.subf %min3A_1770, %max3A_1773 : vector<128x128xf32>
        %max3A_1775 = arith.constant 0.000000e+00 : f32
        %max3A_1776 = vector.broadcast %max3A_1775 : f32 to vector<128x128xf32>
        %max3A_1777 = arith.maximumf %sub3A_1774, %max3A_1776 : vector<128x128xf32>
        %min3A_1778 = vector.broadcast %get3A_1764 : vector<128x1xf32> to vector<128x128xf32>
        %min3A_1779 = vector.broadcast %get3A_23 : vector<1x128xf32> to vector<128x128xf32>
        %min3A_1780 = arith.minimumf %min3A_1778, %min3A_1779 : vector<128x128xf32>
        %max3A_1781 = vector.broadcast %get3A_1758 : vector<128x1xf32> to vector<128x128xf32>
        %max3A_1782 = vector.broadcast %get3A_17 : vector<1x128xf32> to vector<128x128xf32>
        %max3A_1783 = arith.maximumf %max3A_1781, %max3A_1782 : vector<128x128xf32>
        %sub3A_1784 = arith.subf %min3A_1780, %max3A_1783 : vector<128x128xf32>
        %max3A_1785 = arith.constant 0.000000e+00 : f32
        %max3A_1786 = vector.broadcast %max3A_1785 : f32 to vector<128x128xf32>
        %max3A_1787 = arith.maximumf %sub3A_1784, %max3A_1786 : vector<128x128xf32>
        %mul3A_1788 = arith.mulf %max3A_1777, %max3A_1787 : vector<128x128xf32>
        %add3A_1789 = vector.broadcast %mul3A_1767 : vector<128x1xf32> to vector<128x128xf32>
        %add3A_1790 = vector.broadcast %mul3A_25 : vector<1x128xf32> to vector<128x128xf32>
        %add3A_1791 = arith.addf %add3A_1789, %add3A_1790 : vector<128x128xf32>
        %sub3A_1792 = arith.subf %add3A_1791, %mul3A_1788 : vector<128x128xf32>
        %add3A_1793 = arith.constant 1.000000e-07 : f32
        %add3A_1794 = vector.broadcast %add3A_1793 : f32 to vector<128x128xf32>
        %add3A_1795 = arith.addf %sub3A_1792, %add3A_1794 : vector<128x128xf32>
        %div3A_1796 = arith.divf %mul3A_1788, %add3A_1795 : vector<128x128xf32>
        %gt3A_1797 = arith.constant 4.500000e-01 : f32
        %gt3A_1798 = vector.broadcast %gt3A_1797 : f32 to vector<128x128xf32>
        %gt3A_1799 = arith.cmpf ogt, %div3A_1796, %gt3A_1798 : vector<128x128xf32>
        %jit3A_1800 = arith.constant 1.000000e+00 : f32
        %jit3A_1801 = arith.constant 0.000000e+00 : f32
        %broadcast_in_dim3A_1802 = vector.broadcast %jit3A_1800 : f32 to vector<128x128xf32>
        %broadcast_in_dim3A_1803 = vector.broadcast %jit3A_1801 : f32 to vector<128x128xf32>
        %select_n3A_1804 = arith.select %gt3A_1799, %broadcast_in_dim3A_1802, %broadcast_in_dim3A_1803 : vector<128x128xi1>, vector<128x128xf32>
        %mul3A_1805 = vector.broadcast %get3A_1752 : vector<128x1xf32> to vector<128x128xf32>
        %mul3A_1806 = arith.mulf %select_n3A_1804, %mul3A_1805 : vector<128x128xf32>
        %reduce_max3A = arith.constant dense<0xFF800000> : vector<128xf32>
        %reduce_max3A_1807 = vector.multi_reduction <maximumf>, %mul3A_1806, %reduce_max3A [0] : vector<128x128xf32> to vector<128xf32>
        %broadcast_in_dim3A_1808 = vector.shape_cast %reduce_max3A_1807 : vector<128xf32> to vector<1x128xf32>
        %max3A_1809 = arith.maximumf %while3A_1747, %broadcast_in_dim3A_1808 : vector<1x128xf32>
        scf.yield %max3A_1809 : vector<1x128xf32>
      }
      %while3A_35 = arith.constant 1 : i32
      %while3A_36 = scf.for %while3A_1746 = %while3A_32 to %while3A_28 step %while3A_35 iter_args(%while3A_1747 = %while3A_34) -> (vector<1x128xf32>)  : i32 {
        %mul3A_1748 = arith.constant 128 : i32
        %mul3A_1749 = arith.muli %while3A_1746, %mul3A_1748 : i32
        %get3A_1750 = arith.index_cast %mul3A_1749 : i32 to index
        %get3A_1751 = arith.constant 0 : index
        %get3A_1752 = vector.load %arg5[%get3A_1750, %get3A_1751] : memref<5120x1xf32, #tpu.memory_space<vmem>>, vector<128x1xf32>
        %get3A_1753 = arith.index_cast %mul3A_1749 : i32 to index
        %get3A_1754 = arith.constant 0 : index
        %get3A_1755 = vector.load %arg2[%get3A_1753, %get3A_1754] : memref<5120x4xf32, #tpu.memory_space<vmem>>, vector<128x1xf32>
        %get3A_1756 = arith.index_cast %mul3A_1749 : i32 to index
        %get3A_1757 = arith.constant 1 : index
        %get3A_1758 = vector.load %arg2[%get3A_1756, %get3A_1757] : memref<5120x4xf32, #tpu.memory_space<vmem>>, vector<128x1xf32>
        %get3A_1759 = arith.index_cast %mul3A_1749 : i32 to index
        %get3A_1760 = arith.constant 2 : index
        %get3A_1761 = vector.load %arg2[%get3A_1759, %get3A_1760] : memref<5120x4xf32, #tpu.memory_space<vmem>>, vector<128x1xf32>
        %get3A_1762 = arith.index_cast %mul3A_1749 : i32 to index
        %get3A_1763 = arith.constant 3 : index
        %get3A_1764 = vector.load %arg2[%get3A_1762, %get3A_1763] : memref<5120x4xf32, #tpu.memory_space<vmem>>, vector<128x1xf32>
        %sub3A_1765 = arith.subf %get3A_1761, %get3A_1755 : vector<128x1xf32>
        %sub3A_1766 = arith.subf %get3A_1764, %get3A_1758 : vector<128x1xf32>
        %mul3A_1767 = arith.mulf %sub3A_1765, %sub3A_1766 : vector<128x1xf32>
        %min3A_1768 = vector.broadcast %get3A_1761 : vector<128x1xf32> to vector<128x128xf32>
        %min3A_1769 = vector.broadcast %get3A_20 : vector<1x128xf32> to vector<128x128xf32>
        %min3A_1770 = arith.minimumf %min3A_1768, %min3A_1769 : vector<128x128xf32>
        %max3A_1771 = vector.broadcast %get3A_1755 : vector<128x1xf32> to vector<128x128xf32>
        %max3A_1772 = vector.broadcast %get3A_14 : vector<1x128xf32> to vector<128x128xf32>
        %max3A_1773 = arith.maximumf %max3A_1771, %max3A_1772 : vector<128x128xf32>
        %sub3A_1774 = arith.subf %min3A_1770, %max3A_1773 : vector<128x128xf32>
        %max3A_1775 = arith.constant 0.000000e+00 : f32
        %max3A_1776 = vector.broadcast %max3A_1775 : f32 to vector<128x128xf32>
        %max3A_1777 = arith.maximumf %sub3A_1774, %max3A_1776 : vector<128x128xf32>
        %min3A_1778 = vector.broadcast %get3A_1764 : vector<128x1xf32> to vector<128x128xf32>
        %min3A_1779 = vector.broadcast %get3A_23 : vector<1x128xf32> to vector<128x128xf32>
        %min3A_1780 = arith.minimumf %min3A_1778, %min3A_1779 : vector<128x128xf32>
        %max3A_1781 = vector.broadcast %get3A_1758 : vector<128x1xf32> to vector<128x128xf32>
        %max3A_1782 = vector.broadcast %get3A_17 : vector<1x128xf32> to vector<128x128xf32>
        %max3A_1783 = arith.maximumf %max3A_1781, %max3A_1782 : vector<128x128xf32>
        %sub3A_1784 = arith.subf %min3A_1780, %max3A_1783 : vector<128x128xf32>
        %max3A_1785 = arith.constant 0.000000e+00 : f32
        %max3A_1786 = vector.broadcast %max3A_1785 : f32 to vector<128x128xf32>
        %max3A_1787 = arith.maximumf %sub3A_1784, %max3A_1786 : vector<128x128xf32>
        %mul3A_1788 = arith.mulf %max3A_1777, %max3A_1787 : vector<128x128xf32>
        %add3A_1789 = vector.broadcast %mul3A_1767 : vector<128x1xf32> to vector<128x128xf32>
        %add3A_1790 = vector.broadcast %mul3A_25 : vector<1x128xf32> to vector<128x128xf32>
        %add3A_1791 = arith.addf %add3A_1789, %add3A_1790 : vector<128x128xf32>
        %sub3A_1792 = arith.subf %add3A_1791, %mul3A_1788 : vector<128x128xf32>
        %add3A_1793 = arith.constant 1.000000e-07 : f32
        %add3A_1794 = vector.broadcast %add3A_1793 : f32 to vector<128x128xf32>
        %add3A_1795 = arith.addf %sub3A_1792, %add3A_1794 : vector<128x128xf32>
        %div3A_1796 = arith.divf %mul3A_1788, %add3A_1795 : vector<128x128xf32>
        %gt3A_1797 = arith.constant 4.500000e-01 : f32
        %gt3A_1798 = vector.broadcast %gt3A_1797 : f32 to vector<128x128xf32>
        %gt3A_1799 = arith.cmpf ogt, %div3A_1796, %gt3A_1798 : vector<128x128xf32>
        %jit3A_1800 = arith.constant 1.000000e+00 : f32
        %jit3A_1801 = arith.constant 0.000000e+00 : f32
        %broadcast_in_dim3A_1802 = vector.broadcast %jit3A_1800 : f32 to vector<128x128xf32>
        %broadcast_in_dim3A_1803 = vector.broadcast %jit3A_1801 : f32 to vector<128x128xf32>
        %select_n3A_1804 = arith.select %gt3A_1799, %broadcast_in_dim3A_1802, %broadcast_in_dim3A_1803 : vector<128x128xi1>, vector<128x128xf32>
        %mul3A_1805 = vector.broadcast %get3A_1752 : vector<128x1xf32> to vector<128x128xf32>
        %mul3A_1806 = arith.mulf %select_n3A_1804, %mul3A_1805 : vector<128x128xf32>
        %reduce_max3A = arith.constant dense<0xFF800000> : vector<128xf32>
        %reduce_max3A_1807 = vector.multi_reduction <maximumf>, %mul3A_1806, %reduce_max3A [0] : vector<128x128xf32> to vector<128xf32>
        %broadcast_in_dim3A_1808 = vector.shape_cast %reduce_max3A_1807 : vector<128xf32> to vector<1x128xf32>
        %max3A_1809 = arith.maximumf %while3A_1747, %broadcast_in_dim3A_1808 : vector<1x128xf32>
        scf.yield %max3A_1809 : vector<1x128xf32>
      }
      %get3A_37 = arith.index_cast %mul3A_11 : i32 to index
      %get3A_38 = arith.constant 0 : index
      %get3A_39 = vector.load %arg2[%get3A_37, %get3A_38] : memref<5120x4xf32, #tpu.memory_space<vmem>>, vector<128x1xf32>
      %get3A_40 = arith.index_cast %mul3A_11 : i32 to index
      %get3A_41 = arith.constant 1 : index
      %get3A_42 = vector.load %arg2[%get3A_40, %get3A_41] : memref<5120x4xf32, #tpu.memory_space<vmem>>, vector<128x1xf32>
      %get3A_43 = arith.index_cast %mul3A_11 : i32 to index
      %get3A_44 = arith.constant 2 : index
      %get3A_45 = vector.load %arg2[%get3A_43, %get3A_44] : memref<5120x4xf32, #tpu.memory_space<vmem>>, vector<128x1xf32>
      %get3A_46 = arith.index_cast %mul3A_11 : i32 to index
      %get3A_47 = arith.constant 3 : index
      %get3A_48 = vector.load %arg2[%get3A_46, %get3A_47] : memref<5120x4xf32, #tpu.memory_space<vmem>>, vector<128x1xf32>
      %sub3A_49 = arith.subf %get3A_45, %get3A_39 : vector<128x1xf32>
      %sub3A_50 = arith.subf %get3A_48, %get3A_42 : vector<128x1xf32>
      %mul3A_51 = arith.mulf %sub3A_49, %sub3A_50 : vector<128x1xf32>
      %min3A = vector.broadcast %get3A_45 : vector<128x1xf32> to vector<128x128xf32>
      %min3A_52 = vector.broadcast %get3A_20 : vector<1x128xf32> to vector<128x128xf32>
      %min3A_53 = arith.minimumf %min3A, %min3A_52 : vector<128x128xf32>
      %max3A = vector.broadcast %get3A_39 : vector<128x1xf32> to vector<128x128xf32>
      %max3A_54 = vector.broadcast %get3A_14 : vector<1x128xf32> to vector<128x128xf32>
      %max3A_55 = arith.maximumf %max3A, %max3A_54 : vector<128x128xf32>
      %sub3A_56 = arith.subf %min3A_53, %max3A_55 : vector<128x128xf32>
      %max3A_57 = arith.constant 0.000000e+00 : f32
      %max3A_58 = vector.broadcast %max3A_57 : f32 to vector<128x128xf32>
      %max3A_59 = arith.maximumf %sub3A_56, %max3A_58 : vector<128x128xf32>
      %min3A_60 = vector.broadcast %get3A_48 : vector<128x1xf32> to vector<128x128xf32>
      %min3A_61 = vector.broadcast %get3A_23 : vector<1x128xf32> to vector<128x128xf32>
      %min3A_62 = arith.minimumf %min3A_60, %min3A_61 : vector<128x128xf32>
      %max3A_63 = vector.broadcast %get3A_42 : vector<128x1xf32> to vector<128x128xf32>
      %max3A_64 = vector.broadcast %get3A_17 : vector<1x128xf32> to vector<128x128xf32>
      %max3A_65 = arith.maximumf %max3A_63, %max3A_64 : vector<128x128xf32>
      %sub3A_66 = arith.subf %min3A_62, %max3A_65 : vector<128x128xf32>
      %max3A_67 = arith.constant 0.000000e+00 : f32
      %max3A_68 = vector.broadcast %max3A_67 : f32 to vector<128x128xf32>
      %max3A_69 = arith.maximumf %sub3A_66, %max3A_68 : vector<128x128xf32>
      %mul3A_70 = arith.mulf %max3A_59, %max3A_69 : vector<128x128xf32>
      %add3A = vector.broadcast %mul3A_51 : vector<128x1xf32> to vector<128x128xf32>
      %add3A_71 = vector.broadcast %mul3A_25 : vector<1x128xf32> to vector<128x128xf32>
      %add3A_72 = arith.addf %add3A, %add3A_71 : vector<128x128xf32>
      %sub3A_73 = arith.subf %add3A_72, %mul3A_70 : vector<128x128xf32>
      %add3A_74 = arith.constant 1.000000e-07 : f32
      %add3A_75 = vector.broadcast %add3A_74 : f32 to vector<128x128xf32>
      %add3A_76 = arith.addf %sub3A_73, %add3A_75 : vector<128x128xf32>
      %div3A = arith.divf %mul3A_70, %add3A_76 : vector<128x128xf32>
      %iota3A = tpu.iota {dimensions = array<i32: 0>} : vector<128x128xi32>
      %iota3A_77 = tpu.iota {dimensions = array<i32: 1>} : vector<128x128xi32>
      %gt3A = arith.constant 4.500000e-01 : f32
      %gt3A_78 = vector.broadcast %gt3A : f32 to vector<128x128xf32>
      %gt3A_79 = arith.cmpf ogt, %div3A, %gt3A_78 : vector<128x128xf32>
      %lt3A_80 = arith.cmpi slt, %iota3A, %iota3A_77 : vector<128x128xi32>
      %and3A = arith.andi %gt3A_79, %lt3A_80 : vector<128x128xi1>
      %jit3A = arith.constant 1.000000e+00 : f32
      %jit3A_81 = arith.constant 0.000000e+00 : f32
      %broadcast_in_dim3A_82 = vector.broadcast %jit3A : f32 to vector<128x128xf32>
      %broadcast_in_dim3A_83 = vector.broadcast %jit3A_81 : f32 to vector<128x128xf32>
      %select_n3A = arith.select %and3A, %broadcast_in_dim3A_82, %broadcast_in_dim3A_83 : vector<128x128xi1>, vector<128x128xf32>
      %swap3A = arith.constant 0 : index
      %swap3A_84 = arith.constant 0 : index
      %swap3A_85 = vector.load %arg6[%swap3A, %swap3A_84] : memref<128x128xf32, #tpu.memory_space<vmem>>, vector<128x128xf32>
      tpu.vector_store %arg6[%swap3A, %swap3A_84], %select_n3A {strides = array<i32>} : memref<128x128xf32, #tpu.memory_space<vmem>>, vector<128x128xf32>,
      %sub3A_86 = arith.constant 1.000000e+00 : f32
      %sub3A_87 = vector.broadcast %sub3A_86 : f32 to vector<1x128xf32>
      %sub3A_88 = arith.subf %sub3A_87, %while3A_36 : vector<1x128xf32>
      %slice3A = vector.extract_strided_slice %sub3A_88 {offsets = [0, 0], sizes = [1, 1], strides = [1, 1]} : vector<1x128xf32> to vector<1x1xf32>
      %squeeze3A = vector.extract %slice3A[0, 0] : f32 from vector<1x1xf32>
      %get3A_89 = arith.constant 0 : index
      %get3A_90 = arith.constant 0 : index
      %get3A_91 = vector.load %arg6[%get3A_89, %get3A_90] : memref<128x128xf32, #tpu.memory_space<vmem>>, vector<1x128xf32>
      %get3A_92 = vector.shape_cast %get3A_91 : vector<1x128xf32> to vector<128xf32>
      %reshape3A = vector.shape_cast %get3A_92 : vector<128xf32> to vector<1x128xf32>
      %mul3A_93 = vector.broadcast %squeeze3A : f32 to vector<1x128xf32>
      %mul3A_94 = arith.mulf %reshape3A, %mul3A_93 : vector<1x128xf32>
      %sub3A_95 = arith.constant 1.000000e+00 : f32
      %sub3A_96 = vector.broadcast %sub3A_95 : f32 to vector<1x128xf32>
      %sub3A_97 = arith.subf %sub3A_96, %mul3A_94 : vector<1x128xf32>
      %mul3A_98 = arith.mulf %sub3A_88, %sub3A_97 : vector<1x128xf32>
      %slice3A_99 = vector.extract_strided_slice %mul3A_98 {offsets = [0, 1], sizes = [1, 1], strides = [1, 1]} : vector<1x128xf32> to vector<1x1xf32>
      %squeeze3A_100 = vector.extract %slice3A_99[0, 0] : f32 from vector<1x1xf32>
      %get3A_101 = arith.constant 1 : index
      %get3A_102 = arith.constant 0 : index
      %get3A_103 = vector.load %arg6[%get3A_101, %get3A_102] : memref<128x128xf32, #tpu.memory_space<vmem>>, vector<1x128xf32>
      %get3A_104 = vector.shape_cast %get3A_103 : vector<1x128xf32> to vector<128xf32>
      %reshape3A_105 = vector.shape_cast %get3A_104 : vector<128xf32> to vector<1x128xf32>
      %mul3A_106 = vector.broadcast %squeeze3A_100 : f32 to vector<1x128xf32>
      %mul3A_107 = arith.mulf %reshape3A_105, %mul3A_106 : vector<1x128xf32>
      %sub3A_108 = arith.constant 1.000000e+00 : f32
      %sub3A_109 = vector.broadcast %sub3A_108 : f32 to vector<1x128xf32>
      %sub3A_110 = arith.subf %sub3A_109, %mul3A_107 : vector<1x128xf32>
      %mul3A_111 = arith.mulf %mul3A_98, %sub3A_110 : vector<1x128xf32>
      %slice3A_112 = vector.extract_strided_slice %mul3A_111 {offsets = [0, 2], sizes = [1, 1], strides = [1, 1]} : vector<1x128xf32> to vector<1x1xf32>
      %squeeze3A_113 = vector.extract %slice3A_112[0, 0] : f32 from vector<1x1xf32>
      %get3A_114 = arith.constant 2 : index
      %get3A_115 = arith.constant 0 : index
      %get3A_116 = vector.load %arg6[%get3A_114, %get3A_115] : memref<128x128xf32, #tpu.memory_space<vmem>>, vector<1x128xf32>
      %get3A_117 = vector.shape_cast %get3A_116 : vector<1x128xf32> to vector<128xf32>
      %reshape3A_118 = vector.shape_cast %get3A_117 : vector<128xf32> to vector<1x128xf32>
      %mul3A_119 = vector.broadcast %squeeze3A_113 : f32 to vector<1x128xf32>
      %mul3A_120 = arith.mulf %reshape3A_118, %mul3A_119 : vector<1x128xf32>
      %sub3A_121 = arith.constant 1.000000e+00 : f32
      %sub3A_122 = vector.broadcast %sub3A_121 : f32 to vector<1x128xf32>
      %sub3A_123 = arith.subf %sub3A_122, %mul3A_120 : vector<1x128xf32>
      %mul3A_124 = arith.mulf %mul3A_111, %sub3A_123 : vector<1x128xf32>
      %slice3A_125 = vector.extract_strided_slice %mul3A_124 {offsets = [0, 3], sizes = [1, 1], strides = [1, 1]} : vector<1x128xf32> to vector<1x1xf32>
      %squeeze3A_126 = vector.extract %slice3A_125[0, 0] : f32 from vector<1x1xf32>
      %get3A_127 = arith.constant 3 : index
      %get3A_128 = arith.constant 0 : index
      %get3A_129 = vector.load %arg6[%get3A_127, %get3A_128] : memref<128x128xf32, #tpu.memory_space<vmem>>, vector<1x128xf32>
      %get3A_130 = vector.shape_cast %get3A_129 : vector<1x128xf32> to vector<128xf32>
      %reshape3A_131 = vector.shape_cast %get3A_130 : vector<128xf32> to vector<1x128xf32>
      %mul3A_132 = vector.broadcast %squeeze3A_126 : f32 to vector<1x128xf32>
      %mul3A_133 = arith.mulf %reshape3A_131, %mul3A_132 : vector<1x128xf32>
      %sub3A_134 = arith.constant 1.000000e+00 : f32
      %sub3A_135 = vector.broadcast %sub3A_134 : f32 to vector<1x128xf32>
      %sub3A_136 = arith.subf %sub3A_135, %mul3A_133 : vector<1x128xf32>
      %mul3A_137 = arith.mulf %mul3A_124, %sub3A_136 : vector<1x128xf32>
      %slice3A_138 = vector.extract_strided_slice %mul3A_137 {offsets = [0, 4], sizes = [1, 1], strides = [1, 1]} : vector<1x128xf32> to vector<1x1xf32>
      %squeeze3A_139 = vector.extract %slice3A_138[0, 0] : f32 from vector<1x1xf32>
      %get3A_140 = arith.constant 4 : index
      %get3A_141 = arith.constant 0 : index
      %get3A_142 = vector.load %arg6[%get3A_140, %get3A_141] : memref<128x128xf32, #tpu.memory_space<vmem>>, vector<1x128xf32>
      %get3A_143 = vector.shape_cast %get3A_142 : vector<1x128xf32> to vector<128xf32>
      %reshape3A_144 = vector.shape_cast %get3A_143 : vector<128xf32> to vector<1x128xf32>
      %mul3A_145 = vector.broadcast %squeeze3A_139 : f32 to vector<1x128xf32>
      %mul3A_146 = arith.mulf %reshape3A_144, %mul3A_145 : vector<1x128xf32>
      %sub3A_147 = arith.constant 1.000000e+00 : f32
      %sub3A_148 = vector.broadcast %sub3A_147 : f32 to vector<1x128xf32>
      %sub3A_149 = arith.subf %sub3A_148, %mul3A_146 : vector<1x128xf32>
      %mul3A_150 = arith.mulf %mul3A_137, %sub3A_149 : vector<1x128xf32>
      %slice3A_151 = vector.extract_strided_slice %mul3A_150 {offsets = [0, 5], sizes = [1, 1], strides = [1, 1]} : vector<1x128xf32> to vector<1x1xf32>
      %squeeze3A_152 = vector.extract %slice3A_151[0, 0] : f32 from vector<1x1xf32>
      %get3A_153 = arith.constant 5 : index
      %get3A_154 = arith.constant 0 : index
      %get3A_155 = vector.load %arg6[%get3A_153, %get3A_154] : memref<128x128xf32, #tpu.memory_space<vmem>>, vector<1x128xf32>
      %get3A_156 = vector.shape_cast %get3A_155 : vector<1x128xf32> to vector<128xf32>
      %reshape3A_157 = vector.shape_cast %get3A_156 : vector<128xf32> to vector<1x128xf32>
      %mul3A_158 = vector.broadcast %squeeze3A_152 : f32 to vector<1x128xf32>
      %mul3A_159 = arith.mulf %reshape3A_157, %mul3A_158 : vector<1x128xf32>
      %sub3A_160 = arith.constant 1.000000e+00 : f32
      %sub3A_161 = vector.broadcast %sub3A_160 : f32 to vector<1x128xf32>
      %sub3A_162 = arith.subf %sub3A_161, %mul3A_159 : vector<1x128xf32>
      %mul3A_163 = arith.mulf %mul3A_150, %sub3A_162 : vector<1x128xf32>
      %slice3A_164 = vector.extract_strided_slice %mul3A_163 {offsets = [0, 6], sizes = [1, 1], strides = [1, 1]} : vector<1x128xf32> to vector<1x1xf32>
      %squeeze3A_165 = vector.extract %slice3A_164[0, 0] : f32 from vector<1x1xf32>
      %get3A_166 = arith.constant 6 : index
      %get3A_167 = arith.constant 0 : index
      %get3A_168 = vector.load %arg6[%get3A_166, %get3A_167] : memref<128x128xf32, #tpu.memory_space<vmem>>, vector<1x128xf32>
      %get3A_169 = vector.shape_cast %get3A_168 : vector<1x128xf32> to vector<128xf32>
      %reshape3A_170 = vector.shape_cast %get3A_169 : vector<128xf32> to vector<1x128xf32>
      %mul3A_171 = vector.broadcast %squeeze3A_165 : f32 to vector<1x128xf32>
      %mul3A_172 = arith.mulf %reshape3A_170, %mul3A_171 : vector<1x128xf32>
      %sub3A_173 = arith.constant 1.000000e+00 : f32
      %sub3A_174 = vector.broadcast %sub3A_173 : f32 to vector<1x128xf32>
      %sub3A_175 = arith.subf %sub3A_174, %mul3A_172 : vector<1x128xf32>
      %mul3A_176 = arith.mulf %mul3A_163, %sub3A_175 : vector<1x128xf32>
      %slice3A_177 = vector.extract_strided_slice %mul3A_176 {offsets = [0, 7], sizes = [1, 1], strides = [1, 1]} : vector<1x128xf32> to vector<1x1xf32>
      %squeeze3A_178 = vector.extract %slice3A_177[0, 0] : f32 from vector<1x1xf32>
      %get3A_179 = arith.constant 7 : index
      %get3A_180 = arith.constant 0 : index
      %get3A_181 = vector.load %arg6[%get3A_179, %get3A_180] : memref<128x128xf32, #tpu.memory_space<vmem>>, vector<1x128xf32>
      %get3A_182 = vector.shape_cast %get3A_181 : vector<1x128xf32> to vector<128xf32>
      %reshape3A_183 = vector.shape_cast %get3A_182 : vector<128xf32> to vector<1x128xf32>
      %mul3A_184 = vector.broadcast %squeeze3A_178 : f32 to vector<1x128xf32>
      %mul3A_185 = arith.mulf %reshape3A_183, %mul3A_184 : vector<1x128xf32>
      %sub3A_186 = arith.constant 1.000000e+00 : f32
      %sub3A_187 = vector.broadcast %sub3A_186 : f32 to vector<1x128xf32>
      %sub3A_188 = arith.subf %sub3A_187, %mul3A_185 : vector<1x128xf32>
      %mul3A_189 = arith.mulf %mul3A_176, %sub3A_188 : vector<1x128xf32>
      %slice3A_190 = vector.extract_strided_slice %mul3A_189 {offsets = [0, 8], sizes = [1, 1], strides = [1, 1]} : vector<1x128xf32> to vector<1x1xf32>
      %squeeze3A_191 = vector.extract %slice3A_190[0, 0] : f32 from vector<1x1xf32>
      %get3A_192 = arith.constant 8 : index
      %get3A_193 = arith.constant 0 : index
      %get3A_194 = vector.load %arg6[%get3A_192, %get3A_193] : memref<128x128xf32, #tpu.memory_space<vmem>>, vector<1x128xf32>
      %get3A_195 = vector.shape_cast %get3A_194 : vector<1x128xf32> to vector<128xf32>
      %reshape3A_196 = vector.shape_cast %get3A_195 : vector<128xf32> to vector<1x128xf32>
      %mul3A_197 = vector.broadcast %squeeze3A_191 : f32 to vector<1x128xf32>
      %mul3A_198 = arith.mulf %reshape3A_196, %mul3A_197 : vector<1x128xf32>
      %sub3A_199 = arith.constant 1.000000e+00 : f32
      %sub3A_200 = vector.broadcast %sub3A_199 : f32 to vector<1x128xf32>
      %sub3A_201 = arith.subf %sub3A_200, %mul3A_198 : vector<1x128xf32>
      %mul3A_202 = arith.mulf %mul3A_189, %sub3A_201 : vector<1x128xf32>
      %slice3A_203 = vector.extract_strided_slice %mul3A_202 {offsets = [0, 9], sizes = [1, 1], strides = [1, 1]} : vector<1x128xf32> to vector<1x1xf32>
      %squeeze3A_204 = vector.extract %slice3A_203[0, 0] : f32 from vector<1x1xf32>
      %get3A_205 = arith.constant 9 : index
      %get3A_206 = arith.constant 0 : index
      %get3A_207 = vector.load %arg6[%get3A_205, %get3A_206] : memref<128x128xf32, #tpu.memory_space<vmem>>, vector<1x128xf32>
      %get3A_208 = vector.shape_cast %get3A_207 : vector<1x128xf32> to vector<128xf32>
      %reshape3A_209 = vector.shape_cast %get3A_208 : vector<128xf32> to vector<1x128xf32>
      %mul3A_210 = vector.broadcast %squeeze3A_204 : f32 to vector<1x128xf32>
      %mul3A_211 = arith.mulf %reshape3A_209, %mul3A_210 : vector<1x128xf32>
      %sub3A_212 = arith.constant 1.000000e+00 : f32
      %sub3A_213 = vector.broadcast %sub3A_212 : f32 to vector<1x128xf32>
      %sub3A_214 = arith.subf %sub3A_213, %mul3A_211 : vector<1x128xf32>
      %mul3A_215 = arith.mulf %mul3A_202, %sub3A_214 : vector<1x128xf32>
      %slice3A_216 = vector.extract_strided_slice %mul3A_215 {offsets = [0, 10], sizes = [1, 1], strides = [1, 1]} : vector<1x128xf32> to vector<1x1xf32>
      %squeeze3A_217 = vector.extract %slice3A_216[0, 0] : f32 from vector<1x1xf32>
      %get3A_218 = arith.constant 10 : index
      %get3A_219 = arith.constant 0 : index
      %get3A_220 = vector.load %arg6[%get3A_218, %get3A_219] : memref<128x128xf32, #tpu.memory_space<vmem>>, vector<1x128xf32>
      %get3A_221 = vector.shape_cast %get3A_220 : vector<1x128xf32> to vector<128xf32>
      %reshape3A_222 = vector.shape_cast %get3A_221 : vector<128xf32> to vector<1x128xf32>
      %mul3A_223 = vector.broadcast %squeeze3A_217 : f32 to vector<1x128xf32>
      %mul3A_224 = arith.mulf %reshape3A_222, %mul3A_223 : vector<1x128xf32>
      %sub3A_225 = arith.constant 1.000000e+00 : f32
      %sub3A_226 = vector.broadcast %sub3A_225 : f32 to vector<1x128xf32>
      %sub3A_227 = arith.subf %sub3A_226, %mul3A_224 : vector<1x128xf32>
      %mul3A_228 = arith.mulf %mul3A_215, %sub3A_227 : vector<1x128xf32>
      %slice3A_229 = vector.extract_strided_slice %mul3A_228 {offsets = [0, 11], sizes = [1, 1], strides = [1, 1]} : vector<1x128xf32> to vector<1x1xf32>
      %squeeze3A_230 = vector.extract %slice3A_229[0, 0] : f32 from vector<1x1xf32>
      %get3A_231 = arith.constant 11 : index
      %get3A_232 = arith.constant 0 : index
      %get3A_233 = vector.load %arg6[%get3A_231, %get3A_232] : memref<128x128xf32, #tpu.memory_space<vmem>>, vector<1x128xf32>
      %get3A_234 = vector.shape_cast %get3A_233 : vector<1x128xf32> to vector<128xf32>
      %reshape3A_235 = vector.shape_cast %get3A_234 : vector<128xf32> to vector<1x128xf32>
      %mul3A_236 = vector.broadcast %squeeze3A_230 : f32 to vector<1x128xf32>
      %mul3A_237 = arith.mulf %reshape3A_235, %mul3A_236 : vector<1x128xf32>
      %sub3A_238 = arith.constant 1.000000e+00 : f32
      %sub3A_239 = vector.broadcast %sub3A_238 : f32 to vector<1x128xf32>
      %sub3A_240 = arith.subf %sub3A_239, %mul3A_237 : vector<1x128xf32>
      %mul3A_241 = arith.mulf %mul3A_228, %sub3A_240 : vector<1x128xf32>
      %slice3A_242 = vector.extract_strided_slice %mul3A_241 {offsets = [0, 12], sizes = [1, 1], strides = [1, 1]} : vector<1x128xf32> to vector<1x1xf32>
      %squeeze3A_243 = vector.extract %slice3A_242[0, 0] : f32 from vector<1x1xf32>
      %get3A_244 = arith.constant 12 : index
      %get3A_245 = arith.constant 0 : index
      %get3A_246 = vector.load %arg6[%get3A_244, %get3A_245] : memref<128x128xf32, #tpu.memory_space<vmem>>, vector<1x128xf32>
      %get3A_247 = vector.shape_cast %get3A_246 : vector<1x128xf32> to vector<128xf32>
      %reshape3A_248 = vector.shape_cast %get3A_247 : vector<128xf32> to vector<1x128xf32>
      %mul3A_249 = vector.broadcast %squeeze3A_243 : f32 to vector<1x128xf32>
      %mul3A_250 = arith.mulf %reshape3A_248, %mul3A_249 : vector<1x128xf32>
      %sub3A_251 = arith.constant 1.000000e+00 : f32
      %sub3A_252 = vector.broadcast %sub3A_251 : f32 to vector<1x128xf32>
      %sub3A_253 = arith.subf %sub3A_252, %mul3A_250 : vector<1x128xf32>
      %mul3A_254 = arith.mulf %mul3A_241, %sub3A_253 : vector<1x128xf32>
      %slice3A_255 = vector.extract_strided_slice %mul3A_254 {offsets = [0, 13], sizes = [1, 1], strides = [1, 1]} : vector<1x128xf32> to vector<1x1xf32>
      %squeeze3A_256 = vector.extract %slice3A_255[0, 0] : f32 from vector<1x1xf32>
      %get3A_257 = arith.constant 13 : index
      %get3A_258 = arith.constant 0 : index
      %get3A_259 = vector.load %arg6[%get3A_257, %get3A_258] : memref<128x128xf32, #tpu.memory_space<vmem>>, vector<1x128xf32>
      %get3A_260 = vector.shape_cast %get3A_259 : vector<1x128xf32> to vector<128xf32>
      %reshape3A_261 = vector.shape_cast %get3A_260 : vector<128xf32> to vector<1x128xf32>
      %mul3A_262 = vector.broadcast %squeeze3A_256 : f32 to vector<1x128xf32>
      %mul3A_263 = arith.mulf %reshape3A_261, %mul3A_262 : vector<1x128xf32>
      %sub3A_264 = arith.constant 1.000000e+00 : f32
      %sub3A_265 = vector.broadcast %sub3A_264 : f32 to vector<1x128xf32>
      %sub3A_266 = arith.subf %sub3A_265, %mul3A_263 : vector<1x128xf32>
      %mul3A_267 = arith.mulf %mul3A_254, %sub3A_266 : vector<1x128xf32>
      %slice3A_268 = vector.extract_strided_slice %mul3A_267 {offsets = [0, 14], sizes = [1, 1], strides = [1, 1]} : vector<1x128xf32> to vector<1x1xf32>
      %squeeze3A_269 = vector.extract %slice3A_268[0, 0] : f32 from vector<1x1xf32>
      %get3A_270 = arith.constant 14 : index
      %get3A_271 = arith.constant 0 : index
      %get3A_272 = vector.load %arg6[%get3A_270, %get3A_271] : memref<128x128xf32, #tpu.memory_space<vmem>>, vector<1x128xf32>
      %get3A_273 = vector.shape_cast %get3A_272 : vector<1x128xf32> to vector<128xf32>
      %reshape3A_274 = vector.shape_cast %get3A_273 : vector<128xf32> to vector<1x128xf32>
      %mul3A_275 = vector.broadcast %squeeze3A_269 : f32 to vector<1x128xf32>
      %mul3A_276 = arith.mulf %reshape3A_274, %mul3A_275 : vector<1x128xf32>
      %sub3A_277 = arith.constant 1.000000e+00 : f32
      %sub3A_278 = vector.broadcast %sub3A_277 : f32 to vector<1x128xf32>
      %sub3A_279 = arith.subf %sub3A_278, %mul3A_276 : vector<1x128xf32>
      %mul3A_280 = arith.mulf %mul3A_267, %sub3A_279 : vector<1x128xf32>
      %slice3A_281 = vector.extract_strided_slice %mul3A_280 {offsets = [0, 15], sizes = [1, 1], strides = [1, 1]} : vector<1x128xf32> to vector<1x1xf32>
      %squeeze3A_282 = vector.extract %slice3A_281[0, 0] : f32 from vector<1x1xf32>
      %get3A_283 = arith.constant 15 : index
      %get3A_284 = arith.constant 0 : index
      %get3A_285 = vector.load %arg6[%get3A_283, %get3A_284] : memref<128x128xf32, #tpu.memory_space<vmem>>, vector<1x128xf32>
      %get3A_286 = vector.shape_cast %get3A_285 : vector<1x128xf32> to vector<128xf32>
      %reshape3A_287 = vector.shape_cast %get3A_286 : vector<128xf32> to vector<1x128xf32>
      %mul3A_288 = vector.broadcast %squeeze3A_282 : f32 to vector<1x128xf32>
      %mul3A_289 = arith.mulf %reshape3A_287, %mul3A_288 : vector<1x128xf32>
      %sub3A_290 = arith.constant 1.000000e+00 : f32
      %sub3A_291 = vector.broadcast %sub3A_290 : f32 to vector<1x128xf32>
      %sub3A_292 = arith.subf %sub3A_291, %mul3A_289 : vector<1x128xf32>
      %mul3A_293 = arith.mulf %mul3A_280, %sub3A_292 : vector<1x128xf32>
      %slice3A_294 = vector.extract_strided_slice %mul3A_293 {offsets = [0, 16], sizes = [1, 1], strides = [1, 1]} : vector<1x128xf32> to vector<1x1xf32>
      %squeeze3A_295 = vector.extract %slice3A_294[0, 0] : f32 from vector<1x1xf32>
      %get3A_296 = arith.constant 16 : index
      %get3A_297 = arith.constant 0 : index
      %get3A_298 = vector.load %arg6[%get3A_296, %get3A_297] : memref<128x128xf32, #tpu.memory_space<vmem>>, vector<1x128xf32>
      %get3A_299 = vector.shape_cast %get3A_298 : vector<1x128xf32> to vector<128xf32>
      %reshape3A_300 = vector.shape_cast %get3A_299 : vector<128xf32> to vector<1x128xf32>
      %mul3A_301 = vector.broadcast %squeeze3A_295 : f32 to vector<1x128xf32>
      %mul3A_302 = arith.mulf %reshape3A_300, %mul3A_301 : vector<1x128xf32>
      %sub3A_303 = arith.constant 1.000000e+00 : f32
      %sub3A_304 = vector.broadcast %sub3A_303 : f32 to vector<1x128xf32>
      %sub3A_305 = arith.subf %sub3A_304, %mul3A_302 : vector<1x128xf32>
      %mul3A_306 = arith.mulf %mul3A_293, %sub3A_305 : vector<1x128xf32>
      %slice3A_307 = vector.extract_strided_slice %mul3A_306 {offsets = [0, 17], sizes = [1, 1], strides = [1, 1]} : vector<1x128xf32> to vector<1x1xf32>
      %squeeze3A_308 = vector.extract %slice3A_307[0, 0] : f32 from vector<1x1xf32>
      %get3A_309 = arith.constant 17 : index
      %get3A_310 = arith.constant 0 : index
      %get3A_311 = vector.load %arg6[%get3A_309, %get3A_310] : memref<128x128xf32, #tpu.memory_space<vmem>>, vector<1x128xf32>
      %get3A_312 = vector.shape_cast %get3A_311 : vector<1x128xf32> to vector<128xf32>
      %reshape3A_313 = vector.shape_cast %get3A_312 : vector<128xf32> to vector<1x128xf32>
      %mul3A_314 = vector.broadcast %squeeze3A_308 : f32 to vector<1x128xf32>
      %mul3A_315 = arith.mulf %reshape3A_313, %mul3A_314 : vector<1x128xf32>
      %sub3A_316 = arith.constant 1.000000e+00 : f32
      %sub3A_317 = vector.broadcast %sub3A_316 : f32 to vector<1x128xf32>
      %sub3A_318 = arith.subf %sub3A_317, %mul3A_315 : vector<1x128xf32>
      %mul3A_319 = arith.mulf %mul3A_306, %sub3A_318 : vector<1x128xf32>
      %slice3A_320 = vector.extract_strided_slice %mul3A_319 {offsets = [0, 18], sizes = [1, 1], strides = [1, 1]} : vector<1x128xf32> to vector<1x1xf32>
      %squeeze3A_321 = vector.extract %slice3A_320[0, 0] : f32 from vector<1x1xf32>
      %get3A_322 = arith.constant 18 : index
      %get3A_323 = arith.constant 0 : index
      %get3A_324 = vector.load %arg6[%get3A_322, %get3A_323] : memref<128x128xf32, #tpu.memory_space<vmem>>, vector<1x128xf32>
      %get3A_325 = vector.shape_cast %get3A_324 : vector<1x128xf32> to vector<128xf32>
      %reshape3A_326 = vector.shape_cast %get3A_325 : vector<128xf32> to vector<1x128xf32>
      %mul3A_327 = vector.broadcast %squeeze3A_321 : f32 to vector<1x128xf32>
      %mul3A_328 = arith.mulf %reshape3A_326, %mul3A_327 : vector<1x128xf32>
      %sub3A_329 = arith.constant 1.000000e+00 : f32
      %sub3A_330 = vector.broadcast %sub3A_329 : f32 to vector<1x128xf32>
      %sub3A_331 = arith.subf %sub3A_330, %mul3A_328 : vector<1x128xf32>
      %mul3A_332 = arith.mulf %mul3A_319, %sub3A_331 : vector<1x128xf32>
      %slice3A_333 = vector.extract_strided_slice %mul3A_332 {offsets = [0, 19], sizes = [1, 1], strides = [1, 1]} : vector<1x128xf32> to vector<1x1xf32>
      %squeeze3A_334 = vector.extract %slice3A_333[0, 0] : f32 from vector<1x1xf32>
      %get3A_335 = arith.constant 19 : index
      %get3A_336 = arith.constant 0 : index
      %get3A_337 = vector.load %arg6[%get3A_335, %get3A_336] : memref<128x128xf32, #tpu.memory_space<vmem>>, vector<1x128xf32>
      %get3A_338 = vector.shape_cast %get3A_337 : vector<1x128xf32> to vector<128xf32>
      %reshape3A_339 = vector.shape_cast %get3A_338 : vector<128xf32> to vector<1x128xf32>
      %mul3A_340 = vector.broadcast %squeeze3A_334 : f32 to vector<1x128xf32>
      %mul3A_341 = arith.mulf %reshape3A_339, %mul3A_340 : vector<1x128xf32>
      %sub3A_342 = arith.constant 1.000000e+00 : f32
      %sub3A_343 = vector.broadcast %sub3A_342 : f32 to vector<1x128xf32>
      %sub3A_344 = arith.subf %sub3A_343, %mul3A_341 : vector<1x128xf32>
      %mul3A_345 = arith.mulf %mul3A_332, %sub3A_344 : vector<1x128xf32>
      %slice3A_346 = vector.extract_strided_slice %mul3A_345 {offsets = [0, 20], sizes = [1, 1], strides = [1, 1]} : vector<1x128xf32> to vector<1x1xf32>
      %squeeze3A_347 = vector.extract %slice3A_346[0, 0] : f32 from vector<1x1xf32>
      %get3A_348 = arith.constant 20 : index
      %get3A_349 = arith.constant 0 : index
      %get3A_350 = vector.load %arg6[%get3A_348, %get3A_349] : memref<128x128xf32, #tpu.memory_space<vmem>>, vector<1x128xf32>
      %get3A_351 = vector.shape_cast %get3A_350 : vector<1x128xf32> to vector<128xf32>
      %reshape3A_352 = vector.shape_cast %get3A_351 : vector<128xf32> to vector<1x128xf32>
      %mul3A_353 = vector.broadcast %squeeze3A_347 : f32 to vector<1x128xf32>
      %mul3A_354 = arith.mulf %reshape3A_352, %mul3A_353 : vector<1x128xf32>
      %sub3A_355 = arith.constant 1.000000e+00 : f32
      %sub3A_356 = vector.broadcast %sub3A_355 : f32 to vector<1x128xf32>
      %sub3A_357 = arith.subf %sub3A_356, %mul3A_354 : vector<1x128xf32>
      %mul3A_358 = arith.mulf %mul3A_345, %sub3A_357 : vector<1x128xf32>
      %slice3A_359 = vector.extract_strided_slice %mul3A_358 {offsets = [0, 21], sizes = [1, 1], strides = [1, 1]} : vector<1x128xf32> to vector<1x1xf32>
      %squeeze3A_360 = vector.extract %slice3A_359[0, 0] : f32 from vector<1x1xf32>
      %get3A_361 = arith.constant 21 : index
      %get3A_362 = arith.constant 0 : index
      %get3A_363 = vector.load %arg6[%get3A_361, %get3A_362] : memref<128x128xf32, #tpu.memory_space<vmem>>, vector<1x128xf32>
      %get3A_364 = vector.shape_cast %get3A_363 : vector<1x128xf32> to vector<128xf32>
      %reshape3A_365 = vector.shape_cast %get3A_364 : vector<128xf32> to vector<1x128xf32>
      %mul3A_366 = vector.broadcast %squeeze3A_360 : f32 to vector<1x128xf32>
      %mul3A_367 = arith.mulf %reshape3A_365, %mul3A_366 : vector<1x128xf32>
      %sub3A_368 = arith.constant 1.000000e+00 : f32
      %sub3A_369 = vector.broadcast %sub3A_368 : f32 to vector<1x128xf32>
      %sub3A_370 = arith.subf %sub3A_369, %mul3A_367 : vector<1x128xf32>
      %mul3A_371 = arith.mulf %mul3A_358, %sub3A_370 : vector<1x128xf32>
      %slice3A_372 = vector.extract_strided_slice %mul3A_371 {offsets = [0, 22], sizes = [1, 1], strides = [1, 1]} : vector<1x128xf32> to vector<1x1xf32>
      %squeeze3A_373 = vector.extract %slice3A_372[0, 0] : f32 from vector<1x1xf32>
      %get3A_374 = arith.constant 22 : index
      %get3A_375 = arith.constant 0 : index
      %get3A_376 = vector.load %arg6[%get3A_374, %get3A_375] : memref<128x128xf32, #tpu.memory_space<vmem>>, vector<1x128xf32>
      %get3A_377 = vector.shape_cast %get3A_376 : vector<1x128xf32> to vector<128xf32>
      %reshape3A_378 = vector.shape_cast %get3A_377 : vector<128xf32> to vector<1x128xf32>
      %mul3A_379 = vector.broadcast %squeeze3A_373 : f32 to vector<1x128xf32>
      %mul3A_380 = arith.mulf %reshape3A_378, %mul3A_379 : vector<1x128xf32>
      %sub3A_381 = arith.constant 1.000000e+00 : f32
      %sub3A_382 = vector.broadcast %sub3A_381 : f32 to vector<1x128xf32>
      %sub3A_383 = arith.subf %sub3A_382, %mul3A_380 : vector<1x128xf32>
      %mul3A_384 = arith.mulf %mul3A_371, %sub3A_383 : vector<1x128xf32>
      %slice3A_385 = vector.extract_strided_slice %mul3A_384 {offsets = [0, 23], sizes = [1, 1], strides = [1, 1]} : vector<1x128xf32> to vector<1x1xf32>
      %squeeze3A_386 = vector.extract %slice3A_385[0, 0] : f32 from vector<1x1xf32>
      %get3A_387 = arith.constant 23 : index
      %get3A_388 = arith.constant 0 : index
      %get3A_389 = vector.load %arg6[%get3A_387, %get3A_388] : memref<128x128xf32, #tpu.memory_space<vmem>>, vector<1x128xf32>
      %get3A_390 = vector.shape_cast %get3A_389 : vector<1x128xf32> to vector<128xf32>
      %reshape3A_391 = vector.shape_cast %get3A_390 : vector<128xf32> to vector<1x128xf32>
      %mul3A_392 = vector.broadcast %squeeze3A_386 : f32 to vector<1x128xf32>
      %mul3A_393 = arith.mulf %reshape3A_391, %mul3A_392 : vector<1x128xf32>
      %sub3A_394 = arith.constant 1.000000e+00 : f32
      %sub3A_395 = vector.broadcast %sub3A_394 : f32 to vector<1x128xf32>
      %sub3A_396 = arith.subf %sub3A_395, %mul3A_393 : vector<1x128xf32>
      %mul3A_397 = arith.mulf %mul3A_384, %sub3A_396 : vector<1x128xf32>
      %slice3A_398 = vector.extract_strided_slice %mul3A_397 {offsets = [0, 24], sizes = [1, 1], strides = [1, 1]} : vector<1x128xf32> to vector<1x1xf32>
      %squeeze3A_399 = vector.extract %slice3A_398[0, 0] : f32 from vector<1x1xf32>
      %get3A_400 = arith.constant 24 : index
      %get3A_401 = arith.constant 0 : index
      %get3A_402 = vector.load %arg6[%get3A_400, %get3A_401] : memref<128x128xf32, #tpu.memory_space<vmem>>, vector<1x128xf32>
      %get3A_403 = vector.shape_cast %get3A_402 : vector<1x128xf32> to vector<128xf32>
      %reshape3A_404 = vector.shape_cast %get3A_403 : vector<128xf32> to vector<1x128xf32>
      %mul3A_405 = vector.broadcast %squeeze3A_399 : f32 to vector<1x128xf32>
      %mul3A_406 = arith.mulf %reshape3A_404, %mul3A_405 : vector<1x128xf32>
      %sub3A_407 = arith.constant 1.000000e+00 : f32
      %sub3A_408 = vector.broadcast %sub3A_407 : f32 to vector<1x128xf32>
      %sub3A_409 = arith.subf %sub3A_408, %mul3A_406 : vector<1x128xf32>
      %mul3A_410 = arith.mulf %mul3A_397, %sub3A_409 : vector<1x128xf32>
      %slice3A_411 = vector.extract_strided_slice %mul3A_410 {offsets = [0, 25], sizes = [1, 1], strides = [1, 1]} : vector<1x128xf32> to vector<1x1xf32>
      %squeeze3A_412 = vector.extract %slice3A_411[0, 0] : f32 from vector<1x1xf32>
      %get3A_413 = arith.constant 25 : index
      %get3A_414 = arith.constant 0 : index
      %get3A_415 = vector.load %arg6[%get3A_413, %get3A_414] : memref<128x128xf32, #tpu.memory_space<vmem>>, vector<1x128xf32>
      %get3A_416 = vector.shape_cast %get3A_415 : vector<1x128xf32> to vector<128xf32>
      %reshape3A_417 = vector.shape_cast %get3A_416 : vector<128xf32> to vector<1x128xf32>
      %mul3A_418 = vector.broadcast %squeeze3A_412 : f32 to vector<1x128xf32>
      %mul3A_419 = arith.mulf %reshape3A_417, %mul3A_418 : vector<1x128xf32>
      %sub3A_420 = arith.constant 1.000000e+00 : f32
      %sub3A_421 = vector.broadcast %sub3A_420 : f32 to vector<1x128xf32>
      %sub3A_422 = arith.subf %sub3A_421, %mul3A_419 : vector<1x128xf32>
      %mul3A_423 = arith.mulf %mul3A_410, %sub3A_422 : vector<1x128xf32>
      %slice3A_424 = vector.extract_strided_slice %mul3A_423 {offsets = [0, 26], sizes = [1, 1], strides = [1, 1]} : vector<1x128xf32> to vector<1x1xf32>
      %squeeze3A_425 = vector.extract %slice3A_424[0, 0] : f32 from vector<1x1xf32>
      %get3A_426 = arith.constant 26 : index
      %get3A_427 = arith.constant 0 : index
      %get3A_428 = vector.load %arg6[%get3A_426, %get3A_427] : memref<128x128xf32, #tpu.memory_space<vmem>>, vector<1x128xf32>
      %get3A_429 = vector.shape_cast %get3A_428 : vector<1x128xf32> to vector<128xf32>
      %reshape3A_430 = vector.shape_cast %get3A_429 : vector<128xf32> to vector<1x128xf32>
      %mul3A_431 = vector.broadcast %squeeze3A_425 : f32 to vector<1x128xf32>
      %mul3A_432 = arith.mulf %reshape3A_430, %mul3A_431 : vector<1x128xf32>
      %sub3A_433 = arith.constant 1.000000e+00 : f32
      %sub3A_434 = vector.broadcast %sub3A_433 : f32 to vector<1x128xf32>
      %sub3A_435 = arith.subf %sub3A_434, %mul3A_432 : vector<1x128xf32>
      %mul3A_436 = arith.mulf %mul3A_423, %sub3A_435 : vector<1x128xf32>
      %slice3A_437 = vector.extract_strided_slice %mul3A_436 {offsets = [0, 27], sizes = [1, 1], strides = [1, 1]} : vector<1x128xf32> to vector<1x1xf32>
      %squeeze3A_438 = vector.extract %slice3A_437[0, 0] : f32 from vector<1x1xf32>
      %get3A_439 = arith.constant 27 : index
      %get3A_440 = arith.constant 0 : index
      %get3A_441 = vector.load %arg6[%get3A_439, %get3A_440] : memref<128x128xf32, #tpu.memory_space<vmem>>, vector<1x128xf32>
      %get3A_442 = vector.shape_cast %get3A_441 : vector<1x128xf32> to vector<128xf32>
      %reshape3A_443 = vector.shape_cast %get3A_442 : vector<128xf32> to vector<1x128xf32>
      %mul3A_444 = vector.broadcast %squeeze3A_438 : f32 to vector<1x128xf32>
      %mul3A_445 = arith.mulf %reshape3A_443, %mul3A_444 : vector<1x128xf32>
      %sub3A_446 = arith.constant 1.000000e+00 : f32
      %sub3A_447 = vector.broadcast %sub3A_446 : f32 to vector<1x128xf32>
      %sub3A_448 = arith.subf %sub3A_447, %mul3A_445 : vector<1x128xf32>
      %mul3A_449 = arith.mulf %mul3A_436, %sub3A_448 : vector<1x128xf32>
      %slice3A_450 = vector.extract_strided_slice %mul3A_449 {offsets = [0, 28], sizes = [1, 1], strides = [1, 1]} : vector<1x128xf32> to vector<1x1xf32>
      %squeeze3A_451 = vector.extract %slice3A_450[0, 0] : f32 from vector<1x1xf32>
      %get3A_452 = arith.constant 28 : index
      %get3A_453 = arith.constant 0 : index
      %get3A_454 = vector.load %arg6[%get3A_452, %get3A_453] : memref<128x128xf32, #tpu.memory_space<vmem>>, vector<1x128xf32>
      %get3A_455 = vector.shape_cast %get3A_454 : vector<1x128xf32> to vector<128xf32>
      %reshape3A_456 = vector.shape_cast %get3A_455 : vector<128xf32> to vector<1x128xf32>
      %mul3A_457 = vector.broadcast %squeeze3A_451 : f32 to vector<1x128xf32>
      %mul3A_458 = arith.mulf %reshape3A_456, %mul3A_457 : vector<1x128xf32>
      %sub3A_459 = arith.constant 1.000000e+00 : f32
      %sub3A_460 = vector.broadcast %sub3A_459 : f32 to vector<1x128xf32>
      %sub3A_461 = arith.subf %sub3A_460, %mul3A_458 : vector<1x128xf32>
      %mul3A_462 = arith.mulf %mul3A_449, %sub3A_461 : vector<1x128xf32>
      %slice3A_463 = vector.extract_strided_slice %mul3A_462 {offsets = [0, 29], sizes = [1, 1], strides = [1, 1]} : vector<1x128xf32> to vector<1x1xf32>
      %squeeze3A_464 = vector.extract %slice3A_463[0, 0] : f32 from vector<1x1xf32>
      %get3A_465 = arith.constant 29 : index
      %get3A_466 = arith.constant 0 : index
      %get3A_467 = vector.load %arg6[%get3A_465, %get3A_466] : memref<128x128xf32, #tpu.memory_space<vmem>>, vector<1x128xf32>
      %get3A_468 = vector.shape_cast %get3A_467 : vector<1x128xf32> to vector<128xf32>
      %reshape3A_469 = vector.shape_cast %get3A_468 : vector<128xf32> to vector<1x128xf32>
      %mul3A_470 = vector.broadcast %squeeze3A_464 : f32 to vector<1x128xf32>
      %mul3A_471 = arith.mulf %reshape3A_469, %mul3A_470 : vector<1x128xf32>
      %sub3A_472 = arith.constant 1.000000e+00 : f32
      %sub3A_473 = vector.broadcast %sub3A_472 : f32 to vector<1x128xf32>
      %sub3A_474 = arith.subf %sub3A_473, %mul3A_471 : vector<1x128xf32>
      %mul3A_475 = arith.mulf %mul3A_462, %sub3A_474 : vector<1x128xf32>
      %slice3A_476 = vector.extract_strided_slice %mul3A_475 {offsets = [0, 30], sizes = [1, 1], strides = [1, 1]} : vector<1x128xf32> to vector<1x1xf32>
      %squeeze3A_477 = vector.extract %slice3A_476[0, 0] : f32 from vector<1x1xf32>
      %get3A_478 = arith.constant 30 : index
      %get3A_479 = arith.constant 0 : index
      %get3A_480 = vector.load %arg6[%get3A_478, %get3A_479] : memref<128x128xf32, #tpu.memory_space<vmem>>, vector<1x128xf32>
      %get3A_481 = vector.shape_cast %get3A_480 : vector<1x128xf32> to vector<128xf32>
      %reshape3A_482 = vector.shape_cast %get3A_481 : vector<128xf32> to vector<1x128xf32>
      %mul3A_483 = vector.broadcast %squeeze3A_477 : f32 to vector<1x128xf32>
      %mul3A_484 = arith.mulf %reshape3A_482, %mul3A_483 : vector<1x128xf32>
      %sub3A_485 = arith.constant 1.000000e+00 : f32
      %sub3A_486 = vector.broadcast %sub3A_485 : f32 to vector<1x128xf32>
      %sub3A_487 = arith.subf %sub3A_486, %mul3A_484 : vector<1x128xf32>
      %mul3A_488 = arith.mulf %mul3A_475, %sub3A_487 : vector<1x128xf32>
      %slice3A_489 = vector.extract_strided_slice %mul3A_488 {offsets = [0, 31], sizes = [1, 1], strides = [1, 1]} : vector<1x128xf32> to vector<1x1xf32>
      %squeeze3A_490 = vector.extract %slice3A_489[0, 0] : f32 from vector<1x1xf32>
      %get3A_491 = arith.constant 31 : index
      %get3A_492 = arith.constant 0 : index
      %get3A_493 = vector.load %arg6[%get3A_491, %get3A_492] : memref<128x128xf32, #tpu.memory_space<vmem>>, vector<1x128xf32>
      %get3A_494 = vector.shape_cast %get3A_493 : vector<1x128xf32> to vector<128xf32>
      %reshape3A_495 = vector.shape_cast %get3A_494 : vector<128xf32> to vector<1x128xf32>
      %mul3A_496 = vector.broadcast %squeeze3A_490 : f32 to vector<1x128xf32>
      %mul3A_497 = arith.mulf %reshape3A_495, %mul3A_496 : vector<1x128xf32>
      %sub3A_498 = arith.constant 1.000000e+00 : f32
      %sub3A_499 = vector.broadcast %sub3A_498 : f32 to vector<1x128xf32>
      %sub3A_500 = arith.subf %sub3A_499, %mul3A_497 : vector<1x128xf32>
      %mul3A_501 = arith.mulf %mul3A_488, %sub3A_500 : vector<1x128xf32>
      %slice3A_502 = vector.extract_strided_slice %mul3A_501 {offsets = [0, 32], sizes = [1, 1], strides = [1, 1]} : vector<1x128xf32> to vector<1x1xf32>
      %squeeze3A_503 = vector.extract %slice3A_502[0, 0] : f32 from vector<1x1xf32>
      %get3A_504 = arith.constant 32 : index
      %get3A_505 = arith.constant 0 : index
      %get3A_506 = vector.load %arg6[%get3A_504, %get3A_505] : memref<128x128xf32, #tpu.memory_space<vmem>>, vector<1x128xf32>
      %get3A_507 = vector.shape_cast %get3A_506 : vector<1x128xf32> to vector<128xf32>
      %reshape3A_508 = vector.shape_cast %get3A_507 : vector<128xf32> to vector<1x128xf32>
      %mul3A_509 = vector.broadcast %squeeze3A_503 : f32 to vector<1x128xf32>
      %mul3A_510 = arith.mulf %reshape3A_508, %mul3A_509 : vector<1x128xf32>
      %sub3A_511 = arith.constant 1.000000e+00 : f32
      %sub3A_512 = vector.broadcast %sub3A_511 : f32 to vector<1x128xf32>
      %sub3A_513 = arith.subf %sub3A_512, %mul3A_510 : vector<1x128xf32>
      %mul3A_514 = arith.mulf %mul3A_501, %sub3A_513 : vector<1x128xf32>
      %slice3A_515 = vector.extract_strided_slice %mul3A_514 {offsets = [0, 33], sizes = [1, 1], strides = [1, 1]} : vector<1x128xf32> to vector<1x1xf32>
      %squeeze3A_516 = vector.extract %slice3A_515[0, 0] : f32 from vector<1x1xf32>
      %get3A_517 = arith.constant 33 : index
      %get3A_518 = arith.constant 0 : index
      %get3A_519 = vector.load %arg6[%get3A_517, %get3A_518] : memref<128x128xf32, #tpu.memory_space<vmem>>, vector<1x128xf32>
      %get3A_520 = vector.shape_cast %get3A_519 : vector<1x128xf32> to vector<128xf32>
      %reshape3A_521 = vector.shape_cast %get3A_520 : vector<128xf32> to vector<1x128xf32>
      %mul3A_522 = vector.broadcast %squeeze3A_516 : f32 to vector<1x128xf32>
      %mul3A_523 = arith.mulf %reshape3A_521, %mul3A_522 : vector<1x128xf32>
      %sub3A_524 = arith.constant 1.000000e+00 : f32
      %sub3A_525 = vector.broadcast %sub3A_524 : f32 to vector<1x128xf32>
      %sub3A_526 = arith.subf %sub3A_525, %mul3A_523 : vector<1x128xf32>
      %mul3A_527 = arith.mulf %mul3A_514, %sub3A_526 : vector<1x128xf32>
      %slice3A_528 = vector.extract_strided_slice %mul3A_527 {offsets = [0, 34], sizes = [1, 1], strides = [1, 1]} : vector<1x128xf32> to vector<1x1xf32>
      %squeeze3A_529 = vector.extract %slice3A_528[0, 0] : f32 from vector<1x1xf32>
      %get3A_530 = arith.constant 34 : index
      %get3A_531 = arith.constant 0 : index
      %get3A_532 = vector.load %arg6[%get3A_530, %get3A_531] : memref<128x128xf32, #tpu.memory_space<vmem>>, vector<1x128xf32>
      %get3A_533 = vector.shape_cast %get3A_532 : vector<1x128xf32> to vector<128xf32>
      %reshape3A_534 = vector.shape_cast %get3A_533 : vector<128xf32> to vector<1x128xf32>
      %mul3A_535 = vector.broadcast %squeeze3A_529 : f32 to vector<1x128xf32>
      %mul3A_536 = arith.mulf %reshape3A_534, %mul3A_535 : vector<1x128xf32>
      %sub3A_537 = arith.constant 1.000000e+00 : f32
      %sub3A_538 = vector.broadcast %sub3A_537 : f32 to vector<1x128xf32>
      %sub3A_539 = arith.subf %sub3A_538, %mul3A_536 : vector<1x128xf32>
      %mul3A_540 = arith.mulf %mul3A_527, %sub3A_539 : vector<1x128xf32>
      %slice3A_541 = vector.extract_strided_slice %mul3A_540 {offsets = [0, 35], sizes = [1, 1], strides = [1, 1]} : vector<1x128xf32> to vector<1x1xf32>
      %squeeze3A_542 = vector.extract %slice3A_541[0, 0] : f32 from vector<1x1xf32>
      %get3A_543 = arith.constant 35 : index
      %get3A_544 = arith.constant 0 : index
      %get3A_545 = vector.load %arg6[%get3A_543, %get3A_544] : memref<128x128xf32, #tpu.memory_space<vmem>>, vector<1x128xf32>
      %get3A_546 = vector.shape_cast %get3A_545 : vector<1x128xf32> to vector<128xf32>
      %reshape3A_547 = vector.shape_cast %get3A_546 : vector<128xf32> to vector<1x128xf32>
      %mul3A_548 = vector.broadcast %squeeze3A_542 : f32 to vector<1x128xf32>
      %mul3A_549 = arith.mulf %reshape3A_547, %mul3A_548 : vector<1x128xf32>
      %sub3A_550 = arith.constant 1.000000e+00 : f32
      %sub3A_551 = vector.broadcast %sub3A_550 : f32 to vector<1x128xf32>
      %sub3A_552 = arith.subf %sub3A_551, %mul3A_549 : vector<1x128xf32>
      %mul3A_553 = arith.mulf %mul3A_540, %sub3A_552 : vector<1x128xf32>
      %slice3A_554 = vector.extract_strided_slice %mul3A_553 {offsets = [0, 36], sizes = [1, 1], strides = [1, 1]} : vector<1x128xf32> to vector<1x1xf32>
      %squeeze3A_555 = vector.extract %slice3A_554[0, 0] : f32 from vector<1x1xf32>
      %get3A_556 = arith.constant 36 : index
      %get3A_557 = arith.constant 0 : index
      %get3A_558 = vector.load %arg6[%get3A_556, %get3A_557] : memref<128x128xf32, #tpu.memory_space<vmem>>, vector<1x128xf32>
      %get3A_559 = vector.shape_cast %get3A_558 : vector<1x128xf32> to vector<128xf32>
      %reshape3A_560 = vector.shape_cast %get3A_559 : vector<128xf32> to vector<1x128xf32>
      %mul3A_561 = vector.broadcast %squeeze3A_555 : f32 to vector<1x128xf32>
      %mul3A_562 = arith.mulf %reshape3A_560, %mul3A_561 : vector<1x128xf32>
      %sub3A_563 = arith.constant 1.000000e+00 : f32
      %sub3A_564 = vector.broadcast %sub3A_563 : f32 to vector<1x128xf32>
      %sub3A_565 = arith.subf %sub3A_564, %mul3A_562 : vector<1x128xf32>
      %mul3A_566 = arith.mulf %mul3A_553, %sub3A_565 : vector<1x128xf32>
      %slice3A_567 = vector.extract_strided_slice %mul3A_566 {offsets = [0, 37], sizes = [1, 1], strides = [1, 1]} : vector<1x128xf32> to vector<1x1xf32>
      %squeeze3A_568 = vector.extract %slice3A_567[0, 0] : f32 from vector<1x1xf32>
      %get3A_569 = arith.constant 37 : index
      %get3A_570 = arith.constant 0 : index
      %get3A_571 = vector.load %arg6[%get3A_569, %get3A_570] : memref<128x128xf32, #tpu.memory_space<vmem>>, vector<1x128xf32>
      %get3A_572 = vector.shape_cast %get3A_571 : vector<1x128xf32> to vector<128xf32>
      %reshape3A_573 = vector.shape_cast %get3A_572 : vector<128xf32> to vector<1x128xf32>
      %mul3A_574 = vector.broadcast %squeeze3A_568 : f32 to vector<1x128xf32>
      %mul3A_575 = arith.mulf %reshape3A_573, %mul3A_574 : vector<1x128xf32>
      %sub3A_576 = arith.constant 1.000000e+00 : f32
      %sub3A_577 = vector.broadcast %sub3A_576 : f32 to vector<1x128xf32>
      %sub3A_578 = arith.subf %sub3A_577, %mul3A_575 : vector<1x128xf32>
      %mul3A_579 = arith.mulf %mul3A_566, %sub3A_578 : vector<1x128xf32>
      %slice3A_580 = vector.extract_strided_slice %mul3A_579 {offsets = [0, 38], sizes = [1, 1], strides = [1, 1]} : vector<1x128xf32> to vector<1x1xf32>
      %squeeze3A_581 = vector.extract %slice3A_580[0, 0] : f32 from vector<1x1xf32>
      %get3A_582 = arith.constant 38 : index
      %get3A_583 = arith.constant 0 : index
      %get3A_584 = vector.load %arg6[%get3A_582, %get3A_583] : memref<128x128xf32, #tpu.memory_space<vmem>>, vector<1x128xf32>
      %get3A_585 = vector.shape_cast %get3A_584 : vector<1x128xf32> to vector<128xf32>
      %reshape3A_586 = vector.shape_cast %get3A_585 : vector<128xf32> to vector<1x128xf32>
      %mul3A_587 = vector.broadcast %squeeze3A_581 : f32 to vector<1x128xf32>
      %mul3A_588 = arith.mulf %reshape3A_586, %mul3A_587 : vector<1x128xf32>
      %sub3A_589 = arith.constant 1.000000e+00 : f32
      %sub3A_590 = vector.broadcast %sub3A_589 : f32 to vector<1x128xf32>
      %sub3A_591 = arith.subf %sub3A_590, %mul3A_588 : vector<1x128xf32>
      %mul3A_592 = arith.mulf %mul3A_579, %sub3A_591 : vector<1x128xf32>
      %slice3A_593 = vector.extract_strided_slice %mul3A_592 {offsets = [0, 39], sizes = [1, 1], strides = [1, 1]} : vector<1x128xf32> to vector<1x1xf32>
      %squeeze3A_594 = vector.extract %slice3A_593[0, 0] : f32 from vector<1x1xf32>
      %get3A_595 = arith.constant 39 : index
      %get3A_596 = arith.constant 0 : index
      %get3A_597 = vector.load %arg6[%get3A_595, %get3A_596] : memref<128x128xf32, #tpu.memory_space<vmem>>, vector<1x128xf32>
      %get3A_598 = vector.shape_cast %get3A_597 : vector<1x128xf32> to vector<128xf32>
      %reshape3A_599 = vector.shape_cast %get3A_598 : vector<128xf32> to vector<1x128xf32>
      %mul3A_600 = vector.broadcast %squeeze3A_594 : f32 to vector<1x128xf32>
      %mul3A_601 = arith.mulf %reshape3A_599, %mul3A_600 : vector<1x128xf32>
      %sub3A_602 = arith.constant 1.000000e+00 : f32
      %sub3A_603 = vector.broadcast %sub3A_602 : f32 to vector<1x128xf32>
      %sub3A_604 = arith.subf %sub3A_603, %mul3A_601 : vector<1x128xf32>
      %mul3A_605 = arith.mulf %mul3A_592, %sub3A_604 : vector<1x128xf32>
      %slice3A_606 = vector.extract_strided_slice %mul3A_605 {offsets = [0, 40], sizes = [1, 1], strides = [1, 1]} : vector<1x128xf32> to vector<1x1xf32>
      %squeeze3A_607 = vector.extract %slice3A_606[0, 0] : f32 from vector<1x1xf32>
      %get3A_608 = arith.constant 40 : index
      %get3A_609 = arith.constant 0 : index
      %get3A_610 = vector.load %arg6[%get3A_608, %get3A_609] : memref<128x128xf32, #tpu.memory_space<vmem>>, vector<1x128xf32>
      %get3A_611 = vector.shape_cast %get3A_610 : vector<1x128xf32> to vector<128xf32>
      %reshape3A_612 = vector.shape_cast %get3A_611 : vector<128xf32> to vector<1x128xf32>
      %mul3A_613 = vector.broadcast %squeeze3A_607 : f32 to vector<1x128xf32>
      %mul3A_614 = arith.mulf %reshape3A_612, %mul3A_613 : vector<1x128xf32>
      %sub3A_615 = arith.constant 1.000000e+00 : f32
      %sub3A_616 = vector.broadcast %sub3A_615 : f32 to vector<1x128xf32>
      %sub3A_617 = arith.subf %sub3A_616, %mul3A_614 : vector<1x128xf32>
      %mul3A_618 = arith.mulf %mul3A_605, %sub3A_617 : vector<1x128xf32>
      %slice3A_619 = vector.extract_strided_slice %mul3A_618 {offsets = [0, 41], sizes = [1, 1], strides = [1, 1]} : vector<1x128xf32> to vector<1x1xf32>
      %squeeze3A_620 = vector.extract %slice3A_619[0, 0] : f32 from vector<1x1xf32>
      %get3A_621 = arith.constant 41 : index
      %get3A_622 = arith.constant 0 : index
      %get3A_623 = vector.load %arg6[%get3A_621, %get3A_622] : memref<128x128xf32, #tpu.memory_space<vmem>>, vector<1x128xf32>
      %get3A_624 = vector.shape_cast %get3A_623 : vector<1x128xf32> to vector<128xf32>
      %reshape3A_625 = vector.shape_cast %get3A_624 : vector<128xf32> to vector<1x128xf32>
      %mul3A_626 = vector.broadcast %squeeze3A_620 : f32 to vector<1x128xf32>
      %mul3A_627 = arith.mulf %reshape3A_625, %mul3A_626 : vector<1x128xf32>
      %sub3A_628 = arith.constant 1.000000e+00 : f32
      %sub3A_629 = vector.broadcast %sub3A_628 : f32 to vector<1x128xf32>
      %sub3A_630 = arith.subf %sub3A_629, %mul3A_627 : vector<1x128xf32>
      %mul3A_631 = arith.mulf %mul3A_618, %sub3A_630 : vector<1x128xf32>
      %slice3A_632 = vector.extract_strided_slice %mul3A_631 {offsets = [0, 42], sizes = [1, 1], strides = [1, 1]} : vector<1x128xf32> to vector<1x1xf32>
      %squeeze3A_633 = vector.extract %slice3A_632[0, 0] : f32 from vector<1x1xf32>
      %get3A_634 = arith.constant 42 : index
      %get3A_635 = arith.constant 0 : index
      %get3A_636 = vector.load %arg6[%get3A_634, %get3A_635] : memref<128x128xf32, #tpu.memory_space<vmem>>, vector<1x128xf32>
      %get3A_637 = vector.shape_cast %get3A_636 : vector<1x128xf32> to vector<128xf32>
      %reshape3A_638 = vector.shape_cast %get3A_637 : vector<128xf32> to vector<1x128xf32>
      %mul3A_639 = vector.broadcast %squeeze3A_633 : f32 to vector<1x128xf32>
      %mul3A_640 = arith.mulf %reshape3A_638, %mul3A_639 : vector<1x128xf32>
      %sub3A_641 = arith.constant 1.000000e+00 : f32
      %sub3A_642 = vector.broadcast %sub3A_641 : f32 to vector<1x128xf32>
      %sub3A_643 = arith.subf %sub3A_642, %mul3A_640 : vector<1x128xf32>
      %mul3A_644 = arith.mulf %mul3A_631, %sub3A_643 : vector<1x128xf32>
      %slice3A_645 = vector.extract_strided_slice %mul3A_644 {offsets = [0, 43], sizes = [1, 1], strides = [1, 1]} : vector<1x128xf32> to vector<1x1xf32>
      %squeeze3A_646 = vector.extract %slice3A_645[0, 0] : f32 from vector<1x1xf32>
      %get3A_647 = arith.constant 43 : index
      %get3A_648 = arith.constant 0 : index
      %get3A_649 = vector.load %arg6[%get3A_647, %get3A_648] : memref<128x128xf32, #tpu.memory_space<vmem>>, vector<1x128xf32>
      %get3A_650 = vector.shape_cast %get3A_649 : vector<1x128xf32> to vector<128xf32>
      %reshape3A_651 = vector.shape_cast %get3A_650 : vector<128xf32> to vector<1x128xf32>
      %mul3A_652 = vector.broadcast %squeeze3A_646 : f32 to vector<1x128xf32>
      %mul3A_653 = arith.mulf %reshape3A_651, %mul3A_652 : vector<1x128xf32>
      %sub3A_654 = arith.constant 1.000000e+00 : f32
      %sub3A_655 = vector.broadcast %sub3A_654 : f32 to vector<1x128xf32>
      %sub3A_656 = arith.subf %sub3A_655, %mul3A_653 : vector<1x128xf32>
      %mul3A_657 = arith.mulf %mul3A_644, %sub3A_656 : vector<1x128xf32>
      %slice3A_658 = vector.extract_strided_slice %mul3A_657 {offsets = [0, 44], sizes = [1, 1], strides = [1, 1]} : vector<1x128xf32> to vector<1x1xf32>
      %squeeze3A_659 = vector.extract %slice3A_658[0, 0] : f32 from vector<1x1xf32>
      %get3A_660 = arith.constant 44 : index
      %get3A_661 = arith.constant 0 : index
      %get3A_662 = vector.load %arg6[%get3A_660, %get3A_661] : memref<128x128xf32, #tpu.memory_space<vmem>>, vector<1x128xf32>
      %get3A_663 = vector.shape_cast %get3A_662 : vector<1x128xf32> to vector<128xf32>
      %reshape3A_664 = vector.shape_cast %get3A_663 : vector<128xf32> to vector<1x128xf32>
      %mul3A_665 = vector.broadcast %squeeze3A_659 : f32 to vector<1x128xf32>
      %mul3A_666 = arith.mulf %reshape3A_664, %mul3A_665 : vector<1x128xf32>
      %sub3A_667 = arith.constant 1.000000e+00 : f32
      %sub3A_668 = vector.broadcast %sub3A_667 : f32 to vector<1x128xf32>
      %sub3A_669 = arith.subf %sub3A_668, %mul3A_666 : vector<1x128xf32>
      %mul3A_670 = arith.mulf %mul3A_657, %sub3A_669 : vector<1x128xf32>
      %slice3A_671 = vector.extract_strided_slice %mul3A_670 {offsets = [0, 45], sizes = [1, 1], strides = [1, 1]} : vector<1x128xf32> to vector<1x1xf32>
      %squeeze3A_672 = vector.extract %slice3A_671[0, 0] : f32 from vector<1x1xf32>
      %get3A_673 = arith.constant 45 : index
      %get3A_674 = arith.constant 0 : index
      %get3A_675 = vector.load %arg6[%get3A_673, %get3A_674] : memref<128x128xf32, #tpu.memory_space<vmem>>, vector<1x128xf32>
      %get3A_676 = vector.shape_cast %get3A_675 : vector<1x128xf32> to vector<128xf32>
      %reshape3A_677 = vector.shape_cast %get3A_676 : vector<128xf32> to vector<1x128xf32>
      %mul3A_678 = vector.broadcast %squeeze3A_672 : f32 to vector<1x128xf32>
      %mul3A_679 = arith.mulf %reshape3A_677, %mul3A_678 : vector<1x128xf32>
      %sub3A_680 = arith.constant 1.000000e+00 : f32
      %sub3A_681 = vector.broadcast %sub3A_680 : f32 to vector<1x128xf32>
      %sub3A_682 = arith.subf %sub3A_681, %mul3A_679 : vector<1x128xf32>
      %mul3A_683 = arith.mulf %mul3A_670, %sub3A_682 : vector<1x128xf32>
      %slice3A_684 = vector.extract_strided_slice %mul3A_683 {offsets = [0, 46], sizes = [1, 1], strides = [1, 1]} : vector<1x128xf32> to vector<1x1xf32>
      %squeeze3A_685 = vector.extract %slice3A_684[0, 0] : f32 from vector<1x1xf32>
      %get3A_686 = arith.constant 46 : index
      %get3A_687 = arith.constant 0 : index
      %get3A_688 = vector.load %arg6[%get3A_686, %get3A_687] : memref<128x128xf32, #tpu.memory_space<vmem>>, vector<1x128xf32>
      %get3A_689 = vector.shape_cast %get3A_688 : vector<1x128xf32> to vector<128xf32>
      %reshape3A_690 = vector.shape_cast %get3A_689 : vector<128xf32> to vector<1x128xf32>
      %mul3A_691 = vector.broadcast %squeeze3A_685 : f32 to vector<1x128xf32>
      %mul3A_692 = arith.mulf %reshape3A_690, %mul3A_691 : vector<1x128xf32>
      %sub3A_693 = arith.constant 1.000000e+00 : f32
      %sub3A_694 = vector.broadcast %sub3A_693 : f32 to vector<1x128xf32>
      %sub3A_695 = arith.subf %sub3A_694, %mul3A_692 : vector<1x128xf32>
      %mul3A_696 = arith.mulf %mul3A_683, %sub3A_695 : vector<1x128xf32>
      %slice3A_697 = vector.extract_strided_slice %mul3A_696 {offsets = [0, 47], sizes = [1, 1], strides = [1, 1]} : vector<1x128xf32> to vector<1x1xf32>
      %squeeze3A_698 = vector.extract %slice3A_697[0, 0] : f32 from vector<1x1xf32>
      %get3A_699 = arith.constant 47 : index
      %get3A_700 = arith.constant 0 : index
      %get3A_701 = vector.load %arg6[%get3A_699, %get3A_700] : memref<128x128xf32, #tpu.memory_space<vmem>>, vector<1x128xf32>
      %get3A_702 = vector.shape_cast %get3A_701 : vector<1x128xf32> to vector<128xf32>
      %reshape3A_703 = vector.shape_cast %get3A_702 : vector<128xf32> to vector<1x128xf32>
      %mul3A_704 = vector.broadcast %squeeze3A_698 : f32 to vector<1x128xf32>
      %mul3A_705 = arith.mulf %reshape3A_703, %mul3A_704 : vector<1x128xf32>
      %sub3A_706 = arith.constant 1.000000e+00 : f32
      %sub3A_707 = vector.broadcast %sub3A_706 : f32 to vector<1x128xf32>
      %sub3A_708 = arith.subf %sub3A_707, %mul3A_705 : vector<1x128xf32>
      %mul3A_709 = arith.mulf %mul3A_696, %sub3A_708 : vector<1x128xf32>
      %slice3A_710 = vector.extract_strided_slice %mul3A_709 {offsets = [0, 48], sizes = [1, 1], strides = [1, 1]} : vector<1x128xf32> to vector<1x1xf32>
      %squeeze3A_711 = vector.extract %slice3A_710[0, 0] : f32 from vector<1x1xf32>
      %get3A_712 = arith.constant 48 : index
      %get3A_713 = arith.constant 0 : index
      %get3A_714 = vector.load %arg6[%get3A_712, %get3A_713] : memref<128x128xf32, #tpu.memory_space<vmem>>, vector<1x128xf32>
      %get3A_715 = vector.shape_cast %get3A_714 : vector<1x128xf32> to vector<128xf32>
      %reshape3A_716 = vector.shape_cast %get3A_715 : vector<128xf32> to vector<1x128xf32>
      %mul3A_717 = vector.broadcast %squeeze3A_711 : f32 to vector<1x128xf32>
      %mul3A_718 = arith.mulf %reshape3A_716, %mul3A_717 : vector<1x128xf32>
      %sub3A_719 = arith.constant 1.000000e+00 : f32
      %sub3A_720 = vector.broadcast %sub3A_719 : f32 to vector<1x128xf32>
      %sub3A_721 = arith.subf %sub3A_720, %mul3A_718 : vector<1x128xf32>
      %mul3A_722 = arith.mulf %mul3A_709, %sub3A_721 : vector<1x128xf32>
      %slice3A_723 = vector.extract_strided_slice %mul3A_722 {offsets = [0, 49], sizes = [1, 1], strides = [1, 1]} : vector<1x128xf32> to vector<1x1xf32>
      %squeeze3A_724 = vector.extract %slice3A_723[0, 0] : f32 from vector<1x1xf32>
      %get3A_725 = arith.constant 49 : index
      %get3A_726 = arith.constant 0 : index
      %get3A_727 = vector.load %arg6[%get3A_725, %get3A_726] : memref<128x128xf32, #tpu.memory_space<vmem>>, vector<1x128xf32>
      %get3A_728 = vector.shape_cast %get3A_727 : vector<1x128xf32> to vector<128xf32>
      %reshape3A_729 = vector.shape_cast %get3A_728 : vector<128xf32> to vector<1x128xf32>
      %mul3A_730 = vector.broadcast %squeeze3A_724 : f32 to vector<1x128xf32>
      %mul3A_731 = arith.mulf %reshape3A_729, %mul3A_730 : vector<1x128xf32>
      %sub3A_732 = arith.constant 1.000000e+00 : f32
      %sub3A_733 = vector.broadcast %sub3A_732 : f32 to vector<1x128xf32>
      %sub3A_734 = arith.subf %sub3A_733, %mul3A_731 : vector<1x128xf32>
      %mul3A_735 = arith.mulf %mul3A_722, %sub3A_734 : vector<1x128xf32>
      %slice3A_736 = vector.extract_strided_slice %mul3A_735 {offsets = [0, 50], sizes = [1, 1], strides = [1, 1]} : vector<1x128xf32> to vector<1x1xf32>
      %squeeze3A_737 = vector.extract %slice3A_736[0, 0] : f32 from vector<1x1xf32>
      %get3A_738 = arith.constant 50 : index
      %get3A_739 = arith.constant 0 : index
      %get3A_740 = vector.load %arg6[%get3A_738, %get3A_739] : memref<128x128xf32, #tpu.memory_space<vmem>>, vector<1x128xf32>
      %get3A_741 = vector.shape_cast %get3A_740 : vector<1x128xf32> to vector<128xf32>
      %reshape3A_742 = vector.shape_cast %get3A_741 : vector<128xf32> to vector<1x128xf32>
      %mul3A_743 = vector.broadcast %squeeze3A_737 : f32 to vector<1x128xf32>
      %mul3A_744 = arith.mulf %reshape3A_742, %mul3A_743 : vector<1x128xf32>
      %sub3A_745 = arith.constant 1.000000e+00 : f32
      %sub3A_746 = vector.broadcast %sub3A_745 : f32 to vector<1x128xf32>
      %sub3A_747 = arith.subf %sub3A_746, %mul3A_744 : vector<1x128xf32>
      %mul3A_748 = arith.mulf %mul3A_735, %sub3A_747 : vector<1x128xf32>
      %slice3A_749 = vector.extract_strided_slice %mul3A_748 {offsets = [0, 51], sizes = [1, 1], strides = [1, 1]} : vector<1x128xf32> to vector<1x1xf32>
      %squeeze3A_750 = vector.extract %slice3A_749[0, 0] : f32 from vector<1x1xf32>
      %get3A_751 = arith.constant 51 : index
      %get3A_752 = arith.constant 0 : index
      %get3A_753 = vector.load %arg6[%get3A_751, %get3A_752] : memref<128x128xf32, #tpu.memory_space<vmem>>, vector<1x128xf32>
      %get3A_754 = vector.shape_cast %get3A_753 : vector<1x128xf32> to vector<128xf32>
      %reshape3A_755 = vector.shape_cast %get3A_754 : vector<128xf32> to vector<1x128xf32>
      %mul3A_756 = vector.broadcast %squeeze3A_750 : f32 to vector<1x128xf32>
      %mul3A_757 = arith.mulf %reshape3A_755, %mul3A_756 : vector<1x128xf32>
      %sub3A_758 = arith.constant 1.000000e+00 : f32
      %sub3A_759 = vector.broadcast %sub3A_758 : f32 to vector<1x128xf32>
      %sub3A_760 = arith.subf %sub3A_759, %mul3A_757 : vector<1x128xf32>
      %mul3A_761 = arith.mulf %mul3A_748, %sub3A_760 : vector<1x128xf32>
      %slice3A_762 = vector.extract_strided_slice %mul3A_761 {offsets = [0, 52], sizes = [1, 1], strides = [1, 1]} : vector<1x128xf32> to vector<1x1xf32>
      %squeeze3A_763 = vector.extract %slice3A_762[0, 0] : f32 from vector<1x1xf32>
      %get3A_764 = arith.constant 52 : index
      %get3A_765 = arith.constant 0 : index
      %get3A_766 = vector.load %arg6[%get3A_764, %get3A_765] : memref<128x128xf32, #tpu.memory_space<vmem>>, vector<1x128xf32>
      %get3A_767 = vector.shape_cast %get3A_766 : vector<1x128xf32> to vector<128xf32>
      %reshape3A_768 = vector.shape_cast %get3A_767 : vector<128xf32> to vector<1x128xf32>
      %mul3A_769 = vector.broadcast %squeeze3A_763 : f32 to vector<1x128xf32>
      %mul3A_770 = arith.mulf %reshape3A_768, %mul3A_769 : vector<1x128xf32>
      %sub3A_771 = arith.constant 1.000000e+00 : f32
      %sub3A_772 = vector.broadcast %sub3A_771 : f32 to vector<1x128xf32>
      %sub3A_773 = arith.subf %sub3A_772, %mul3A_770 : vector<1x128xf32>
      %mul3A_774 = arith.mulf %mul3A_761, %sub3A_773 : vector<1x128xf32>
      %slice3A_775 = vector.extract_strided_slice %mul3A_774 {offsets = [0, 53], sizes = [1, 1], strides = [1, 1]} : vector<1x128xf32> to vector<1x1xf32>
      %squeeze3A_776 = vector.extract %slice3A_775[0, 0] : f32 from vector<1x1xf32>
      %get3A_777 = arith.constant 53 : index
      %get3A_778 = arith.constant 0 : index
      %get3A_779 = vector.load %arg6[%get3A_777, %get3A_778] : memref<128x128xf32, #tpu.memory_space<vmem>>, vector<1x128xf32>
      %get3A_780 = vector.shape_cast %get3A_779 : vector<1x128xf32> to vector<128xf32>
      %reshape3A_781 = vector.shape_cast %get3A_780 : vector<128xf32> to vector<1x128xf32>
      %mul3A_782 = vector.broadcast %squeeze3A_776 : f32 to vector<1x128xf32>
      %mul3A_783 = arith.mulf %reshape3A_781, %mul3A_782 : vector<1x128xf32>
      %sub3A_784 = arith.constant 1.000000e+00 : f32
      %sub3A_785 = vector.broadcast %sub3A_784 : f32 to vector<1x128xf32>
      %sub3A_786 = arith.subf %sub3A_785, %mul3A_783 : vector<1x128xf32>
      %mul3A_787 = arith.mulf %mul3A_774, %sub3A_786 : vector<1x128xf32>
      %slice3A_788 = vector.extract_strided_slice %mul3A_787 {offsets = [0, 54], sizes = [1, 1], strides = [1, 1]} : vector<1x128xf32> to vector<1x1xf32>
      %squeeze3A_789 = vector.extract %slice3A_788[0, 0] : f32 from vector<1x1xf32>
      %get3A_790 = arith.constant 54 : index
      %get3A_791 = arith.constant 0 : index
      %get3A_792 = vector.load %arg6[%get3A_790, %get3A_791] : memref<128x128xf32, #tpu.memory_space<vmem>>, vector<1x128xf32>
      %get3A_793 = vector.shape_cast %get3A_792 : vector<1x128xf32> to vector<128xf32>
      %reshape3A_794 = vector.shape_cast %get3A_793 : vector<128xf32> to vector<1x128xf32>
      %mul3A_795 = vector.broadcast %squeeze3A_789 : f32 to vector<1x128xf32>
      %mul3A_796 = arith.mulf %reshape3A_794, %mul3A_795 : vector<1x128xf32>
      %sub3A_797 = arith.constant 1.000000e+00 : f32
      %sub3A_798 = vector.broadcast %sub3A_797 : f32 to vector<1x128xf32>
      %sub3A_799 = arith.subf %sub3A_798, %mul3A_796 : vector<1x128xf32>
      %mul3A_800 = arith.mulf %mul3A_787, %sub3A_799 : vector<1x128xf32>
      %slice3A_801 = vector.extract_strided_slice %mul3A_800 {offsets = [0, 55], sizes = [1, 1], strides = [1, 1]} : vector<1x128xf32> to vector<1x1xf32>
      %squeeze3A_802 = vector.extract %slice3A_801[0, 0] : f32 from vector<1x1xf32>
      %get3A_803 = arith.constant 55 : index
      %get3A_804 = arith.constant 0 : index
      %get3A_805 = vector.load %arg6[%get3A_803, %get3A_804] : memref<128x128xf32, #tpu.memory_space<vmem>>, vector<1x128xf32>
      %get3A_806 = vector.shape_cast %get3A_805 : vector<1x128xf32> to vector<128xf32>
      %reshape3A_807 = vector.shape_cast %get3A_806 : vector<128xf32> to vector<1x128xf32>
      %mul3A_808 = vector.broadcast %squeeze3A_802 : f32 to vector<1x128xf32>
      %mul3A_809 = arith.mulf %reshape3A_807, %mul3A_808 : vector<1x128xf32>
      %sub3A_810 = arith.constant 1.000000e+00 : f32
      %sub3A_811 = vector.broadcast %sub3A_810 : f32 to vector<1x128xf32>
      %sub3A_812 = arith.subf %sub3A_811, %mul3A_809 : vector<1x128xf32>
      %mul3A_813 = arith.mulf %mul3A_800, %sub3A_812 : vector<1x128xf32>
      %slice3A_814 = vector.extract_strided_slice %mul3A_813 {offsets = [0, 56], sizes = [1, 1], strides = [1, 1]} : vector<1x128xf32> to vector<1x1xf32>
      %squeeze3A_815 = vector.extract %slice3A_814[0, 0] : f32 from vector<1x1xf32>
      %get3A_816 = arith.constant 56 : index
      %get3A_817 = arith.constant 0 : index
      %get3A_818 = vector.load %arg6[%get3A_816, %get3A_817] : memref<128x128xf32, #tpu.memory_space<vmem>>, vector<1x128xf32>
      %get3A_819 = vector.shape_cast %get3A_818 : vector<1x128xf32> to vector<128xf32>
      %reshape3A_820 = vector.shape_cast %get3A_819 : vector<128xf32> to vector<1x128xf32>
      %mul3A_821 = vector.broadcast %squeeze3A_815 : f32 to vector<1x128xf32>
      %mul3A_822 = arith.mulf %reshape3A_820, %mul3A_821 : vector<1x128xf32>
      %sub3A_823 = arith.constant 1.000000e+00 : f32
      %sub3A_824 = vector.broadcast %sub3A_823 : f32 to vector<1x128xf32>
      %sub3A_825 = arith.subf %sub3A_824, %mul3A_822 : vector<1x128xf32>
      %mul3A_826 = arith.mulf %mul3A_813, %sub3A_825 : vector<1x128xf32>
      %slice3A_827 = vector.extract_strided_slice %mul3A_826 {offsets = [0, 57], sizes = [1, 1], strides = [1, 1]} : vector<1x128xf32> to vector<1x1xf32>
      %squeeze3A_828 = vector.extract %slice3A_827[0, 0] : f32 from vector<1x1xf32>
      %get3A_829 = arith.constant 57 : index
      %get3A_830 = arith.constant 0 : index
      %get3A_831 = vector.load %arg6[%get3A_829, %get3A_830] : memref<128x128xf32, #tpu.memory_space<vmem>>, vector<1x128xf32>
      %get3A_832 = vector.shape_cast %get3A_831 : vector<1x128xf32> to vector<128xf32>
      %reshape3A_833 = vector.shape_cast %get3A_832 : vector<128xf32> to vector<1x128xf32>
      %mul3A_834 = vector.broadcast %squeeze3A_828 : f32 to vector<1x128xf32>
      %mul3A_835 = arith.mulf %reshape3A_833, %mul3A_834 : vector<1x128xf32>
      %sub3A_836 = arith.constant 1.000000e+00 : f32
      %sub3A_837 = vector.broadcast %sub3A_836 : f32 to vector<1x128xf32>
      %sub3A_838 = arith.subf %sub3A_837, %mul3A_835 : vector<1x128xf32>
      %mul3A_839 = arith.mulf %mul3A_826, %sub3A_838 : vector<1x128xf32>
      %slice3A_840 = vector.extract_strided_slice %mul3A_839 {offsets = [0, 58], sizes = [1, 1], strides = [1, 1]} : vector<1x128xf32> to vector<1x1xf32>
      %squeeze3A_841 = vector.extract %slice3A_840[0, 0] : f32 from vector<1x1xf32>
      %get3A_842 = arith.constant 58 : index
      %get3A_843 = arith.constant 0 : index
      %get3A_844 = vector.load %arg6[%get3A_842, %get3A_843] : memref<128x128xf32, #tpu.memory_space<vmem>>, vector<1x128xf32>
      %get3A_845 = vector.shape_cast %get3A_844 : vector<1x128xf32> to vector<128xf32>
      %reshape3A_846 = vector.shape_cast %get3A_845 : vector<128xf32> to vector<1x128xf32>
      %mul3A_847 = vector.broadcast %squeeze3A_841 : f32 to vector<1x128xf32>
      %mul3A_848 = arith.mulf %reshape3A_846, %mul3A_847 : vector<1x128xf32>
      %sub3A_849 = arith.constant 1.000000e+00 : f32
      %sub3A_850 = vector.broadcast %sub3A_849 : f32 to vector<1x128xf32>
      %sub3A_851 = arith.subf %sub3A_850, %mul3A_848 : vector<1x128xf32>
      %mul3A_852 = arith.mulf %mul3A_839, %sub3A_851 : vector<1x128xf32>
      %slice3A_853 = vector.extract_strided_slice %mul3A_852 {offsets = [0, 59], sizes = [1, 1], strides = [1, 1]} : vector<1x128xf32> to vector<1x1xf32>
      %squeeze3A_854 = vector.extract %slice3A_853[0, 0] : f32 from vector<1x1xf32>
      %get3A_855 = arith.constant 59 : index
      %get3A_856 = arith.constant 0 : index
      %get3A_857 = vector.load %arg6[%get3A_855, %get3A_856] : memref<128x128xf32, #tpu.memory_space<vmem>>, vector<1x128xf32>
      %get3A_858 = vector.shape_cast %get3A_857 : vector<1x128xf32> to vector<128xf32>
      %reshape3A_859 = vector.shape_cast %get3A_858 : vector<128xf32> to vector<1x128xf32>
      %mul3A_860 = vector.broadcast %squeeze3A_854 : f32 to vector<1x128xf32>
      %mul3A_861 = arith.mulf %reshape3A_859, %mul3A_860 : vector<1x128xf32>
      %sub3A_862 = arith.constant 1.000000e+00 : f32
      %sub3A_863 = vector.broadcast %sub3A_862 : f32 to vector<1x128xf32>
      %sub3A_864 = arith.subf %sub3A_863, %mul3A_861 : vector<1x128xf32>
      %mul3A_865 = arith.mulf %mul3A_852, %sub3A_864 : vector<1x128xf32>
      %slice3A_866 = vector.extract_strided_slice %mul3A_865 {offsets = [0, 60], sizes = [1, 1], strides = [1, 1]} : vector<1x128xf32> to vector<1x1xf32>
      %squeeze3A_867 = vector.extract %slice3A_866[0, 0] : f32 from vector<1x1xf32>
      %get3A_868 = arith.constant 60 : index
      %get3A_869 = arith.constant 0 : index
      %get3A_870 = vector.load %arg6[%get3A_868, %get3A_869] : memref<128x128xf32, #tpu.memory_space<vmem>>, vector<1x128xf32>
      %get3A_871 = vector.shape_cast %get3A_870 : vector<1x128xf32> to vector<128xf32>
      %reshape3A_872 = vector.shape_cast %get3A_871 : vector<128xf32> to vector<1x128xf32>
      %mul3A_873 = vector.broadcast %squeeze3A_867 : f32 to vector<1x128xf32>
      %mul3A_874 = arith.mulf %reshape3A_872, %mul3A_873 : vector<1x128xf32>
      %sub3A_875 = arith.constant 1.000000e+00 : f32
      %sub3A_876 = vector.broadcast %sub3A_875 : f32 to vector<1x128xf32>
      %sub3A_877 = arith.subf %sub3A_876, %mul3A_874 : vector<1x128xf32>
      %mul3A_878 = arith.mulf %mul3A_865, %sub3A_877 : vector<1x128xf32>
      %slice3A_879 = vector.extract_strided_slice %mul3A_878 {offsets = [0, 61], sizes = [1, 1], strides = [1, 1]} : vector<1x128xf32> to vector<1x1xf32>
      %squeeze3A_880 = vector.extract %slice3A_879[0, 0] : f32 from vector<1x1xf32>
      %get3A_881 = arith.constant 61 : index
      %get3A_882 = arith.constant 0 : index
      %get3A_883 = vector.load %arg6[%get3A_881, %get3A_882] : memref<128x128xf32, #tpu.memory_space<vmem>>, vector<1x128xf32>
      %get3A_884 = vector.shape_cast %get3A_883 : vector<1x128xf32> to vector<128xf32>
      %reshape3A_885 = vector.shape_cast %get3A_884 : vector<128xf32> to vector<1x128xf32>
      %mul3A_886 = vector.broadcast %squeeze3A_880 : f32 to vector<1x128xf32>
      %mul3A_887 = arith.mulf %reshape3A_885, %mul3A_886 : vector<1x128xf32>
      %sub3A_888 = arith.constant 1.000000e+00 : f32
      %sub3A_889 = vector.broadcast %sub3A_888 : f32 to vector<1x128xf32>
      %sub3A_890 = arith.subf %sub3A_889, %mul3A_887 : vector<1x128xf32>
      %mul3A_891 = arith.mulf %mul3A_878, %sub3A_890 : vector<1x128xf32>
      %slice3A_892 = vector.extract_strided_slice %mul3A_891 {offsets = [0, 62], sizes = [1, 1], strides = [1, 1]} : vector<1x128xf32> to vector<1x1xf32>
      %squeeze3A_893 = vector.extract %slice3A_892[0, 0] : f32 from vector<1x1xf32>
      %get3A_894 = arith.constant 62 : index
      %get3A_895 = arith.constant 0 : index
      %get3A_896 = vector.load %arg6[%get3A_894, %get3A_895] : memref<128x128xf32, #tpu.memory_space<vmem>>, vector<1x128xf32>
      %get3A_897 = vector.shape_cast %get3A_896 : vector<1x128xf32> to vector<128xf32>
      %reshape3A_898 = vector.shape_cast %get3A_897 : vector<128xf32> to vector<1x128xf32>
      %mul3A_899 = vector.broadcast %squeeze3A_893 : f32 to vector<1x128xf32>
      %mul3A_900 = arith.mulf %reshape3A_898, %mul3A_899 : vector<1x128xf32>
      %sub3A_901 = arith.constant 1.000000e+00 : f32
      %sub3A_902 = vector.broadcast %sub3A_901 : f32 to vector<1x128xf32>
      %sub3A_903 = arith.subf %sub3A_902, %mul3A_900 : vector<1x128xf32>
      %mul3A_904 = arith.mulf %mul3A_891, %sub3A_903 : vector<1x128xf32>
      %slice3A_905 = vector.extract_strided_slice %mul3A_904 {offsets = [0, 63], sizes = [1, 1], strides = [1, 1]} : vector<1x128xf32> to vector<1x1xf32>
      %squeeze3A_906 = vector.extract %slice3A_905[0, 0] : f32 from vector<1x1xf32>
      %get3A_907 = arith.constant 63 : index
      %get3A_908 = arith.constant 0 : index
      %get3A_909 = vector.load %arg6[%get3A_907, %get3A_908] : memref<128x128xf32, #tpu.memory_space<vmem>>, vector<1x128xf32>
      %get3A_910 = vector.shape_cast %get3A_909 : vector<1x128xf32> to vector<128xf32>
      %reshape3A_911 = vector.shape_cast %get3A_910 : vector<128xf32> to vector<1x128xf32>
      %mul3A_912 = vector.broadcast %squeeze3A_906 : f32 to vector<1x128xf32>
      %mul3A_913 = arith.mulf %reshape3A_911, %mul3A_912 : vector<1x128xf32>
      %sub3A_914 = arith.constant 1.000000e+00 : f32
      %sub3A_915 = vector.broadcast %sub3A_914 : f32 to vector<1x128xf32>
      %sub3A_916 = arith.subf %sub3A_915, %mul3A_913 : vector<1x128xf32>
      %mul3A_917 = arith.mulf %mul3A_904, %sub3A_916 : vector<1x128xf32>
      %slice3A_918 = vector.extract_strided_slice %mul3A_917 {offsets = [0, 64], sizes = [1, 1], strides = [1, 1]} : vector<1x128xf32> to vector<1x1xf32>
      %squeeze3A_919 = vector.extract %slice3A_918[0, 0] : f32 from vector<1x1xf32>
      %get3A_920 = arith.constant 64 : index
      %get3A_921 = arith.constant 0 : index
      %get3A_922 = vector.load %arg6[%get3A_920, %get3A_921] : memref<128x128xf32, #tpu.memory_space<vmem>>, vector<1x128xf32>
      %get3A_923 = vector.shape_cast %get3A_922 : vector<1x128xf32> to vector<128xf32>
      %reshape3A_924 = vector.shape_cast %get3A_923 : vector<128xf32> to vector<1x128xf32>
      %mul3A_925 = vector.broadcast %squeeze3A_919 : f32 to vector<1x128xf32>
      %mul3A_926 = arith.mulf %reshape3A_924, %mul3A_925 : vector<1x128xf32>
      %sub3A_927 = arith.constant 1.000000e+00 : f32
      %sub3A_928 = vector.broadcast %sub3A_927 : f32 to vector<1x128xf32>
      %sub3A_929 = arith.subf %sub3A_928, %mul3A_926 : vector<1x128xf32>
      %mul3A_930 = arith.mulf %mul3A_917, %sub3A_929 : vector<1x128xf32>
      %slice3A_931 = vector.extract_strided_slice %mul3A_930 {offsets = [0, 65], sizes = [1, 1], strides = [1, 1]} : vector<1x128xf32> to vector<1x1xf32>
      %squeeze3A_932 = vector.extract %slice3A_931[0, 0] : f32 from vector<1x1xf32>
      %get3A_933 = arith.constant 65 : index
      %get3A_934 = arith.constant 0 : index
      %get3A_935 = vector.load %arg6[%get3A_933, %get3A_934] : memref<128x128xf32, #tpu.memory_space<vmem>>, vector<1x128xf32>
      %get3A_936 = vector.shape_cast %get3A_935 : vector<1x128xf32> to vector<128xf32>
      %reshape3A_937 = vector.shape_cast %get3A_936 : vector<128xf32> to vector<1x128xf32>
      %mul3A_938 = vector.broadcast %squeeze3A_932 : f32 to vector<1x128xf32>
      %mul3A_939 = arith.mulf %reshape3A_937, %mul3A_938 : vector<1x128xf32>
      %sub3A_940 = arith.constant 1.000000e+00 : f32
      %sub3A_941 = vector.broadcast %sub3A_940 : f32 to vector<1x128xf32>
      %sub3A_942 = arith.subf %sub3A_941, %mul3A_939 : vector<1x128xf32>
      %mul3A_943 = arith.mulf %mul3A_930, %sub3A_942 : vector<1x128xf32>
      %slice3A_944 = vector.extract_strided_slice %mul3A_943 {offsets = [0, 66], sizes = [1, 1], strides = [1, 1]} : vector<1x128xf32> to vector<1x1xf32>
      %squeeze3A_945 = vector.extract %slice3A_944[0, 0] : f32 from vector<1x1xf32>
      %get3A_946 = arith.constant 66 : index
      %get3A_947 = arith.constant 0 : index
      %get3A_948 = vector.load %arg6[%get3A_946, %get3A_947] : memref<128x128xf32, #tpu.memory_space<vmem>>, vector<1x128xf32>
      %get3A_949 = vector.shape_cast %get3A_948 : vector<1x128xf32> to vector<128xf32>
      %reshape3A_950 = vector.shape_cast %get3A_949 : vector<128xf32> to vector<1x128xf32>
      %mul3A_951 = vector.broadcast %squeeze3A_945 : f32 to vector<1x128xf32>
      %mul3A_952 = arith.mulf %reshape3A_950, %mul3A_951 : vector<1x128xf32>
      %sub3A_953 = arith.constant 1.000000e+00 : f32
      %sub3A_954 = vector.broadcast %sub3A_953 : f32 to vector<1x128xf32>
      %sub3A_955 = arith.subf %sub3A_954, %mul3A_952 : vector<1x128xf32>
      %mul3A_956 = arith.mulf %mul3A_943, %sub3A_955 : vector<1x128xf32>
      %slice3A_957 = vector.extract_strided_slice %mul3A_956 {offsets = [0, 67], sizes = [1, 1], strides = [1, 1]} : vector<1x128xf32> to vector<1x1xf32>
      %squeeze3A_958 = vector.extract %slice3A_957[0, 0] : f32 from vector<1x1xf32>
      %get3A_959 = arith.constant 67 : index
      %get3A_960 = arith.constant 0 : index
      %get3A_961 = vector.load %arg6[%get3A_959, %get3A_960] : memref<128x128xf32, #tpu.memory_space<vmem>>, vector<1x128xf32>
      %get3A_962 = vector.shape_cast %get3A_961 : vector<1x128xf32> to vector<128xf32>
      %reshape3A_963 = vector.shape_cast %get3A_962 : vector<128xf32> to vector<1x128xf32>
      %mul3A_964 = vector.broadcast %squeeze3A_958 : f32 to vector<1x128xf32>
      %mul3A_965 = arith.mulf %reshape3A_963, %mul3A_964 : vector<1x128xf32>
      %sub3A_966 = arith.constant 1.000000e+00 : f32
      %sub3A_967 = vector.broadcast %sub3A_966 : f32 to vector<1x128xf32>
      %sub3A_968 = arith.subf %sub3A_967, %mul3A_965 : vector<1x128xf32>
      %mul3A_969 = arith.mulf %mul3A_956, %sub3A_968 : vector<1x128xf32>
      %slice3A_970 = vector.extract_strided_slice %mul3A_969 {offsets = [0, 68], sizes = [1, 1], strides = [1, 1]} : vector<1x128xf32> to vector<1x1xf32>
      %squeeze3A_971 = vector.extract %slice3A_970[0, 0] : f32 from vector<1x1xf32>
      %get3A_972 = arith.constant 68 : index
      %get3A_973 = arith.constant 0 : index
      %get3A_974 = vector.load %arg6[%get3A_972, %get3A_973] : memref<128x128xf32, #tpu.memory_space<vmem>>, vector<1x128xf32>
      %get3A_975 = vector.shape_cast %get3A_974 : vector<1x128xf32> to vector<128xf32>
      %reshape3A_976 = vector.shape_cast %get3A_975 : vector<128xf32> to vector<1x128xf32>
      %mul3A_977 = vector.broadcast %squeeze3A_971 : f32 to vector<1x128xf32>
      %mul3A_978 = arith.mulf %reshape3A_976, %mul3A_977 : vector<1x128xf32>
      %sub3A_979 = arith.constant 1.000000e+00 : f32
      %sub3A_980 = vector.broadcast %sub3A_979 : f32 to vector<1x128xf32>
      %sub3A_981 = arith.subf %sub3A_980, %mul3A_978 : vector<1x128xf32>
      %mul3A_982 = arith.mulf %mul3A_969, %sub3A_981 : vector<1x128xf32>
      %slice3A_983 = vector.extract_strided_slice %mul3A_982 {offsets = [0, 69], sizes = [1, 1], strides = [1, 1]} : vector<1x128xf32> to vector<1x1xf32>
      %squeeze3A_984 = vector.extract %slice3A_983[0, 0] : f32 from vector<1x1xf32>
      %get3A_985 = arith.constant 69 : index
      %get3A_986 = arith.constant 0 : index
      %get3A_987 = vector.load %arg6[%get3A_985, %get3A_986] : memref<128x128xf32, #tpu.memory_space<vmem>>, vector<1x128xf32>
      %get3A_988 = vector.shape_cast %get3A_987 : vector<1x128xf32> to vector<128xf32>
      %reshape3A_989 = vector.shape_cast %get3A_988 : vector<128xf32> to vector<1x128xf32>
      %mul3A_990 = vector.broadcast %squeeze3A_984 : f32 to vector<1x128xf32>
      %mul3A_991 = arith.mulf %reshape3A_989, %mul3A_990 : vector<1x128xf32>
      %sub3A_992 = arith.constant 1.000000e+00 : f32
      %sub3A_993 = vector.broadcast %sub3A_992 : f32 to vector<1x128xf32>
      %sub3A_994 = arith.subf %sub3A_993, %mul3A_991 : vector<1x128xf32>
      %mul3A_995 = arith.mulf %mul3A_982, %sub3A_994 : vector<1x128xf32>
      %slice3A_996 = vector.extract_strided_slice %mul3A_995 {offsets = [0, 70], sizes = [1, 1], strides = [1, 1]} : vector<1x128xf32> to vector<1x1xf32>
      %squeeze3A_997 = vector.extract %slice3A_996[0, 0] : f32 from vector<1x1xf32>
      %get3A_998 = arith.constant 70 : index
      %get3A_999 = arith.constant 0 : index
      %get3A_1000 = vector.load %arg6[%get3A_998, %get3A_999] : memref<128x128xf32, #tpu.memory_space<vmem>>, vector<1x128xf32>
      %get3A_1001 = vector.shape_cast %get3A_1000 : vector<1x128xf32> to vector<128xf32>
      %reshape3A_1002 = vector.shape_cast %get3A_1001 : vector<128xf32> to vector<1x128xf32>
      %mul3A_1003 = vector.broadcast %squeeze3A_997 : f32 to vector<1x128xf32>
      %mul3A_1004 = arith.mulf %reshape3A_1002, %mul3A_1003 : vector<1x128xf32>
      %sub3A_1005 = arith.constant 1.000000e+00 : f32
      %sub3A_1006 = vector.broadcast %sub3A_1005 : f32 to vector<1x128xf32>
      %sub3A_1007 = arith.subf %sub3A_1006, %mul3A_1004 : vector<1x128xf32>
      %mul3A_1008 = arith.mulf %mul3A_995, %sub3A_1007 : vector<1x128xf32>
      %slice3A_1009 = vector.extract_strided_slice %mul3A_1008 {offsets = [0, 71], sizes = [1, 1], strides = [1, 1]} : vector<1x128xf32> to vector<1x1xf32>
      %squeeze3A_1010 = vector.extract %slice3A_1009[0, 0] : f32 from vector<1x1xf32>
      %get3A_1011 = arith.constant 71 : index
      %get3A_1012 = arith.constant 0 : index
      %get3A_1013 = vector.load %arg6[%get3A_1011, %get3A_1012] : memref<128x128xf32, #tpu.memory_space<vmem>>, vector<1x128xf32>
      %get3A_1014 = vector.shape_cast %get3A_1013 : vector<1x128xf32> to vector<128xf32>
      %reshape3A_1015 = vector.shape_cast %get3A_1014 : vector<128xf32> to vector<1x128xf32>
      %mul3A_1016 = vector.broadcast %squeeze3A_1010 : f32 to vector<1x128xf32>
      %mul3A_1017 = arith.mulf %reshape3A_1015, %mul3A_1016 : vector<1x128xf32>
      %sub3A_1018 = arith.constant 1.000000e+00 : f32
      %sub3A_1019 = vector.broadcast %sub3A_1018 : f32 to vector<1x128xf32>
      %sub3A_1020 = arith.subf %sub3A_1019, %mul3A_1017 : vector<1x128xf32>
      %mul3A_1021 = arith.mulf %mul3A_1008, %sub3A_1020 : vector<1x128xf32>
      %slice3A_1022 = vector.extract_strided_slice %mul3A_1021 {offsets = [0, 72], sizes = [1, 1], strides = [1, 1]} : vector<1x128xf32> to vector<1x1xf32>
      %squeeze3A_1023 = vector.extract %slice3A_1022[0, 0] : f32 from vector<1x1xf32>
      %get3A_1024 = arith.constant 72 : index
      %get3A_1025 = arith.constant 0 : index
      %get3A_1026 = vector.load %arg6[%get3A_1024, %get3A_1025] : memref<128x128xf32, #tpu.memory_space<vmem>>, vector<1x128xf32>
      %get3A_1027 = vector.shape_cast %get3A_1026 : vector<1x128xf32> to vector<128xf32>
      %reshape3A_1028 = vector.shape_cast %get3A_1027 : vector<128xf32> to vector<1x128xf32>
      %mul3A_1029 = vector.broadcast %squeeze3A_1023 : f32 to vector<1x128xf32>
      %mul3A_1030 = arith.mulf %reshape3A_1028, %mul3A_1029 : vector<1x128xf32>
      %sub3A_1031 = arith.constant 1.000000e+00 : f32
      %sub3A_1032 = vector.broadcast %sub3A_1031 : f32 to vector<1x128xf32>
      %sub3A_1033 = arith.subf %sub3A_1032, %mul3A_1030 : vector<1x128xf32>
      %mul3A_1034 = arith.mulf %mul3A_1021, %sub3A_1033 : vector<1x128xf32>
      %slice3A_1035 = vector.extract_strided_slice %mul3A_1034 {offsets = [0, 73], sizes = [1, 1], strides = [1, 1]} : vector<1x128xf32> to vector<1x1xf32>
      %squeeze3A_1036 = vector.extract %slice3A_1035[0, 0] : f32 from vector<1x1xf32>
      %get3A_1037 = arith.constant 73 : index
      %get3A_1038 = arith.constant 0 : index
      %get3A_1039 = vector.load %arg6[%get3A_1037, %get3A_1038] : memref<128x128xf32, #tpu.memory_space<vmem>>, vector<1x128xf32>
      %get3A_1040 = vector.shape_cast %get3A_1039 : vector<1x128xf32> to vector<128xf32>
      %reshape3A_1041 = vector.shape_cast %get3A_1040 : vector<128xf32> to vector<1x128xf32>
      %mul3A_1042 = vector.broadcast %squeeze3A_1036 : f32 to vector<1x128xf32>
      %mul3A_1043 = arith.mulf %reshape3A_1041, %mul3A_1042 : vector<1x128xf32>
      %sub3A_1044 = arith.constant 1.000000e+00 : f32
      %sub3A_1045 = vector.broadcast %sub3A_1044 : f32 to vector<1x128xf32>
      %sub3A_1046 = arith.subf %sub3A_1045, %mul3A_1043 : vector<1x128xf32>
      %mul3A_1047 = arith.mulf %mul3A_1034, %sub3A_1046 : vector<1x128xf32>
      %slice3A_1048 = vector.extract_strided_slice %mul3A_1047 {offsets = [0, 74], sizes = [1, 1], strides = [1, 1]} : vector<1x128xf32> to vector<1x1xf32>
      %squeeze3A_1049 = vector.extract %slice3A_1048[0, 0] : f32 from vector<1x1xf32>
      %get3A_1050 = arith.constant 74 : index
      %get3A_1051 = arith.constant 0 : index
      %get3A_1052 = vector.load %arg6[%get3A_1050, %get3A_1051] : memref<128x128xf32, #tpu.memory_space<vmem>>, vector<1x128xf32>
      %get3A_1053 = vector.shape_cast %get3A_1052 : vector<1x128xf32> to vector<128xf32>
      %reshape3A_1054 = vector.shape_cast %get3A_1053 : vector<128xf32> to vector<1x128xf32>
      %mul3A_1055 = vector.broadcast %squeeze3A_1049 : f32 to vector<1x128xf32>
      %mul3A_1056 = arith.mulf %reshape3A_1054, %mul3A_1055 : vector<1x128xf32>
      %sub3A_1057 = arith.constant 1.000000e+00 : f32
      %sub3A_1058 = vector.broadcast %sub3A_1057 : f32 to vector<1x128xf32>
      %sub3A_1059 = arith.subf %sub3A_1058, %mul3A_1056 : vector<1x128xf32>
      %mul3A_1060 = arith.mulf %mul3A_1047, %sub3A_1059 : vector<1x128xf32>
      %slice3A_1061 = vector.extract_strided_slice %mul3A_1060 {offsets = [0, 75], sizes = [1, 1], strides = [1, 1]} : vector<1x128xf32> to vector<1x1xf32>
      %squeeze3A_1062 = vector.extract %slice3A_1061[0, 0] : f32 from vector<1x1xf32>
      %get3A_1063 = arith.constant 75 : index
      %get3A_1064 = arith.constant 0 : index
      %get3A_1065 = vector.load %arg6[%get3A_1063, %get3A_1064] : memref<128x128xf32, #tpu.memory_space<vmem>>, vector<1x128xf32>
      %get3A_1066 = vector.shape_cast %get3A_1065 : vector<1x128xf32> to vector<128xf32>
      %reshape3A_1067 = vector.shape_cast %get3A_1066 : vector<128xf32> to vector<1x128xf32>
      %mul3A_1068 = vector.broadcast %squeeze3A_1062 : f32 to vector<1x128xf32>
      %mul3A_1069 = arith.mulf %reshape3A_1067, %mul3A_1068 : vector<1x128xf32>
      %sub3A_1070 = arith.constant 1.000000e+00 : f32
      %sub3A_1071 = vector.broadcast %sub3A_1070 : f32 to vector<1x128xf32>
      %sub3A_1072 = arith.subf %sub3A_1071, %mul3A_1069 : vector<1x128xf32>
      %mul3A_1073 = arith.mulf %mul3A_1060, %sub3A_1072 : vector<1x128xf32>
      %slice3A_1074 = vector.extract_strided_slice %mul3A_1073 {offsets = [0, 76], sizes = [1, 1], strides = [1, 1]} : vector<1x128xf32> to vector<1x1xf32>
      %squeeze3A_1075 = vector.extract %slice3A_1074[0, 0] : f32 from vector<1x1xf32>
      %get3A_1076 = arith.constant 76 : index
      %get3A_1077 = arith.constant 0 : index
      %get3A_1078 = vector.load %arg6[%get3A_1076, %get3A_1077] : memref<128x128xf32, #tpu.memory_space<vmem>>, vector<1x128xf32>
      %get3A_1079 = vector.shape_cast %get3A_1078 : vector<1x128xf32> to vector<128xf32>
      %reshape3A_1080 = vector.shape_cast %get3A_1079 : vector<128xf32> to vector<1x128xf32>
      %mul3A_1081 = vector.broadcast %squeeze3A_1075 : f32 to vector<1x128xf32>
      %mul3A_1082 = arith.mulf %reshape3A_1080, %mul3A_1081 : vector<1x128xf32>
      %sub3A_1083 = arith.constant 1.000000e+00 : f32
      %sub3A_1084 = vector.broadcast %sub3A_1083 : f32 to vector<1x128xf32>
      %sub3A_1085 = arith.subf %sub3A_1084, %mul3A_1082 : vector<1x128xf32>
      %mul3A_1086 = arith.mulf %mul3A_1073, %sub3A_1085 : vector<1x128xf32>
      %slice3A_1087 = vector.extract_strided_slice %mul3A_1086 {offsets = [0, 77], sizes = [1, 1], strides = [1, 1]} : vector<1x128xf32> to vector<1x1xf32>
      %squeeze3A_1088 = vector.extract %slice3A_1087[0, 0] : f32 from vector<1x1xf32>
      %get3A_1089 = arith.constant 77 : index
      %get3A_1090 = arith.constant 0 : index
      %get3A_1091 = vector.load %arg6[%get3A_1089, %get3A_1090] : memref<128x128xf32, #tpu.memory_space<vmem>>, vector<1x128xf32>
      %get3A_1092 = vector.shape_cast %get3A_1091 : vector<1x128xf32> to vector<128xf32>
      %reshape3A_1093 = vector.shape_cast %get3A_1092 : vector<128xf32> to vector<1x128xf32>
      %mul3A_1094 = vector.broadcast %squeeze3A_1088 : f32 to vector<1x128xf32>
      %mul3A_1095 = arith.mulf %reshape3A_1093, %mul3A_1094 : vector<1x128xf32>
      %sub3A_1096 = arith.constant 1.000000e+00 : f32
      %sub3A_1097 = vector.broadcast %sub3A_1096 : f32 to vector<1x128xf32>
      %sub3A_1098 = arith.subf %sub3A_1097, %mul3A_1095 : vector<1x128xf32>
      %mul3A_1099 = arith.mulf %mul3A_1086, %sub3A_1098 : vector<1x128xf32>
      %slice3A_1100 = vector.extract_strided_slice %mul3A_1099 {offsets = [0, 78], sizes = [1, 1], strides = [1, 1]} : vector<1x128xf32> to vector<1x1xf32>
      %squeeze3A_1101 = vector.extract %slice3A_1100[0, 0] : f32 from vector<1x1xf32>
      %get3A_1102 = arith.constant 78 : index
      %get3A_1103 = arith.constant 0 : index
      %get3A_1104 = vector.load %arg6[%get3A_1102, %get3A_1103] : memref<128x128xf32, #tpu.memory_space<vmem>>, vector<1x128xf32>
      %get3A_1105 = vector.shape_cast %get3A_1104 : vector<1x128xf32> to vector<128xf32>
      %reshape3A_1106 = vector.shape_cast %get3A_1105 : vector<128xf32> to vector<1x128xf32>
      %mul3A_1107 = vector.broadcast %squeeze3A_1101 : f32 to vector<1x128xf32>
      %mul3A_1108 = arith.mulf %reshape3A_1106, %mul3A_1107 : vector<1x128xf32>
      %sub3A_1109 = arith.constant 1.000000e+00 : f32
      %sub3A_1110 = vector.broadcast %sub3A_1109 : f32 to vector<1x128xf32>
      %sub3A_1111 = arith.subf %sub3A_1110, %mul3A_1108 : vector<1x128xf32>
      %mul3A_1112 = arith.mulf %mul3A_1099, %sub3A_1111 : vector<1x128xf32>
      %slice3A_1113 = vector.extract_strided_slice %mul3A_1112 {offsets = [0, 79], sizes = [1, 1], strides = [1, 1]} : vector<1x128xf32> to vector<1x1xf32>
      %squeeze3A_1114 = vector.extract %slice3A_1113[0, 0] : f32 from vector<1x1xf32>
      %get3A_1115 = arith.constant 79 : index
      %get3A_1116 = arith.constant 0 : index
      %get3A_1117 = vector.load %arg6[%get3A_1115, %get3A_1116] : memref<128x128xf32, #tpu.memory_space<vmem>>, vector<1x128xf32>
      %get3A_1118 = vector.shape_cast %get3A_1117 : vector<1x128xf32> to vector<128xf32>
      %reshape3A_1119 = vector.shape_cast %get3A_1118 : vector<128xf32> to vector<1x128xf32>
      %mul3A_1120 = vector.broadcast %squeeze3A_1114 : f32 to vector<1x128xf32>
      %mul3A_1121 = arith.mulf %reshape3A_1119, %mul3A_1120 : vector<1x128xf32>
      %sub3A_1122 = arith.constant 1.000000e+00 : f32
      %sub3A_1123 = vector.broadcast %sub3A_1122 : f32 to vector<1x128xf32>
      %sub3A_1124 = arith.subf %sub3A_1123, %mul3A_1121 : vector<1x128xf32>
      %mul3A_1125 = arith.mulf %mul3A_1112, %sub3A_1124 : vector<1x128xf32>
      %slice3A_1126 = vector.extract_strided_slice %mul3A_1125 {offsets = [0, 80], sizes = [1, 1], strides = [1, 1]} : vector<1x128xf32> to vector<1x1xf32>
      %squeeze3A_1127 = vector.extract %slice3A_1126[0, 0] : f32 from vector<1x1xf32>
      %get3A_1128 = arith.constant 80 : index
      %get3A_1129 = arith.constant 0 : index
      %get3A_1130 = vector.load %arg6[%get3A_1128, %get3A_1129] : memref<128x128xf32, #tpu.memory_space<vmem>>, vector<1x128xf32>
      %get3A_1131 = vector.shape_cast %get3A_1130 : vector<1x128xf32> to vector<128xf32>
      %reshape3A_1132 = vector.shape_cast %get3A_1131 : vector<128xf32> to vector<1x128xf32>
      %mul3A_1133 = vector.broadcast %squeeze3A_1127 : f32 to vector<1x128xf32>
      %mul3A_1134 = arith.mulf %reshape3A_1132, %mul3A_1133 : vector<1x128xf32>
      %sub3A_1135 = arith.constant 1.000000e+00 : f32
      %sub3A_1136 = vector.broadcast %sub3A_1135 : f32 to vector<1x128xf32>
      %sub3A_1137 = arith.subf %sub3A_1136, %mul3A_1134 : vector<1x128xf32>
      %mul3A_1138 = arith.mulf %mul3A_1125, %sub3A_1137 : vector<1x128xf32>
      %slice3A_1139 = vector.extract_strided_slice %mul3A_1138 {offsets = [0, 81], sizes = [1, 1], strides = [1, 1]} : vector<1x128xf32> to vector<1x1xf32>
      %squeeze3A_1140 = vector.extract %slice3A_1139[0, 0] : f32 from vector<1x1xf32>
      %get3A_1141 = arith.constant 81 : index
      %get3A_1142 = arith.constant 0 : index
      %get3A_1143 = vector.load %arg6[%get3A_1141, %get3A_1142] : memref<128x128xf32, #tpu.memory_space<vmem>>, vector<1x128xf32>
      %get3A_1144 = vector.shape_cast %get3A_1143 : vector<1x128xf32> to vector<128xf32>
      %reshape3A_1145 = vector.shape_cast %get3A_1144 : vector<128xf32> to vector<1x128xf32>
      %mul3A_1146 = vector.broadcast %squeeze3A_1140 : f32 to vector<1x128xf32>
      %mul3A_1147 = arith.mulf %reshape3A_1145, %mul3A_1146 : vector<1x128xf32>
      %sub3A_1148 = arith.constant 1.000000e+00 : f32
      %sub3A_1149 = vector.broadcast %sub3A_1148 : f32 to vector<1x128xf32>
      %sub3A_1150 = arith.subf %sub3A_1149, %mul3A_1147 : vector<1x128xf32>
      %mul3A_1151 = arith.mulf %mul3A_1138, %sub3A_1150 : vector<1x128xf32>
      %slice3A_1152 = vector.extract_strided_slice %mul3A_1151 {offsets = [0, 82], sizes = [1, 1], strides = [1, 1]} : vector<1x128xf32> to vector<1x1xf32>
      %squeeze3A_1153 = vector.extract %slice3A_1152[0, 0] : f32 from vector<1x1xf32>
      %get3A_1154 = arith.constant 82 : index
      %get3A_1155 = arith.constant 0 : index
      %get3A_1156 = vector.load %arg6[%get3A_1154, %get3A_1155] : memref<128x128xf32, #tpu.memory_space<vmem>>, vector<1x128xf32>
      %get3A_1157 = vector.shape_cast %get3A_1156 : vector<1x128xf32> to vector<128xf32>
      %reshape3A_1158 = vector.shape_cast %get3A_1157 : vector<128xf32> to vector<1x128xf32>
      %mul3A_1159 = vector.broadcast %squeeze3A_1153 : f32 to vector<1x128xf32>
      %mul3A_1160 = arith.mulf %reshape3A_1158, %mul3A_1159 : vector<1x128xf32>
      %sub3A_1161 = arith.constant 1.000000e+00 : f32
      %sub3A_1162 = vector.broadcast %sub3A_1161 : f32 to vector<1x128xf32>
      %sub3A_1163 = arith.subf %sub3A_1162, %mul3A_1160 : vector<1x128xf32>
      %mul3A_1164 = arith.mulf %mul3A_1151, %sub3A_1163 : vector<1x128xf32>
      %slice3A_1165 = vector.extract_strided_slice %mul3A_1164 {offsets = [0, 83], sizes = [1, 1], strides = [1, 1]} : vector<1x128xf32> to vector<1x1xf32>
      %squeeze3A_1166 = vector.extract %slice3A_1165[0, 0] : f32 from vector<1x1xf32>
      %get3A_1167 = arith.constant 83 : index
      %get3A_1168 = arith.constant 0 : index
      %get3A_1169 = vector.load %arg6[%get3A_1167, %get3A_1168] : memref<128x128xf32, #tpu.memory_space<vmem>>, vector<1x128xf32>
      %get3A_1170 = vector.shape_cast %get3A_1169 : vector<1x128xf32> to vector<128xf32>
      %reshape3A_1171 = vector.shape_cast %get3A_1170 : vector<128xf32> to vector<1x128xf32>
      %mul3A_1172 = vector.broadcast %squeeze3A_1166 : f32 to vector<1x128xf32>
      %mul3A_1173 = arith.mulf %reshape3A_1171, %mul3A_1172 : vector<1x128xf32>
      %sub3A_1174 = arith.constant 1.000000e+00 : f32
      %sub3A_1175 = vector.broadcast %sub3A_1174 : f32 to vector<1x128xf32>
      %sub3A_1176 = arith.subf %sub3A_1175, %mul3A_1173 : vector<1x128xf32>
      %mul3A_1177 = arith.mulf %mul3A_1164, %sub3A_1176 : vector<1x128xf32>
      %slice3A_1178 = vector.extract_strided_slice %mul3A_1177 {offsets = [0, 84], sizes = [1, 1], strides = [1, 1]} : vector<1x128xf32> to vector<1x1xf32>
      %squeeze3A_1179 = vector.extract %slice3A_1178[0, 0] : f32 from vector<1x1xf32>
      %get3A_1180 = arith.constant 84 : index
      %get3A_1181 = arith.constant 0 : index
      %get3A_1182 = vector.load %arg6[%get3A_1180, %get3A_1181] : memref<128x128xf32, #tpu.memory_space<vmem>>, vector<1x128xf32>
      %get3A_1183 = vector.shape_cast %get3A_1182 : vector<1x128xf32> to vector<128xf32>
      %reshape3A_1184 = vector.shape_cast %get3A_1183 : vector<128xf32> to vector<1x128xf32>
      %mul3A_1185 = vector.broadcast %squeeze3A_1179 : f32 to vector<1x128xf32>
      %mul3A_1186 = arith.mulf %reshape3A_1184, %mul3A_1185 : vector<1x128xf32>
      %sub3A_1187 = arith.constant 1.000000e+00 : f32
      %sub3A_1188 = vector.broadcast %sub3A_1187 : f32 to vector<1x128xf32>
      %sub3A_1189 = arith.subf %sub3A_1188, %mul3A_1186 : vector<1x128xf32>
      %mul3A_1190 = arith.mulf %mul3A_1177, %sub3A_1189 : vector<1x128xf32>
      %slice3A_1191 = vector.extract_strided_slice %mul3A_1190 {offsets = [0, 85], sizes = [1, 1], strides = [1, 1]} : vector<1x128xf32> to vector<1x1xf32>
      %squeeze3A_1192 = vector.extract %slice3A_1191[0, 0] : f32 from vector<1x1xf32>
      %get3A_1193 = arith.constant 85 : index
      %get3A_1194 = arith.constant 0 : index
      %get3A_1195 = vector.load %arg6[%get3A_1193, %get3A_1194] : memref<128x128xf32, #tpu.memory_space<vmem>>, vector<1x128xf32>
      %get3A_1196 = vector.shape_cast %get3A_1195 : vector<1x128xf32> to vector<128xf32>
      %reshape3A_1197 = vector.shape_cast %get3A_1196 : vector<128xf32> to vector<1x128xf32>
      %mul3A_1198 = vector.broadcast %squeeze3A_1192 : f32 to vector<1x128xf32>
      %mul3A_1199 = arith.mulf %reshape3A_1197, %mul3A_1198 : vector<1x128xf32>
      %sub3A_1200 = arith.constant 1.000000e+00 : f32
      %sub3A_1201 = vector.broadcast %sub3A_1200 : f32 to vector<1x128xf32>
      %sub3A_1202 = arith.subf %sub3A_1201, %mul3A_1199 : vector<1x128xf32>
      %mul3A_1203 = arith.mulf %mul3A_1190, %sub3A_1202 : vector<1x128xf32>
      %slice3A_1204 = vector.extract_strided_slice %mul3A_1203 {offsets = [0, 86], sizes = [1, 1], strides = [1, 1]} : vector<1x128xf32> to vector<1x1xf32>
      %squeeze3A_1205 = vector.extract %slice3A_1204[0, 0] : f32 from vector<1x1xf32>
      %get3A_1206 = arith.constant 86 : index
      %get3A_1207 = arith.constant 0 : index
      %get3A_1208 = vector.load %arg6[%get3A_1206, %get3A_1207] : memref<128x128xf32, #tpu.memory_space<vmem>>, vector<1x128xf32>
      %get3A_1209 = vector.shape_cast %get3A_1208 : vector<1x128xf32> to vector<128xf32>
      %reshape3A_1210 = vector.shape_cast %get3A_1209 : vector<128xf32> to vector<1x128xf32>
      %mul3A_1211 = vector.broadcast %squeeze3A_1205 : f32 to vector<1x128xf32>
      %mul3A_1212 = arith.mulf %reshape3A_1210, %mul3A_1211 : vector<1x128xf32>
      %sub3A_1213 = arith.constant 1.000000e+00 : f32
      %sub3A_1214 = vector.broadcast %sub3A_1213 : f32 to vector<1x128xf32>
      %sub3A_1215 = arith.subf %sub3A_1214, %mul3A_1212 : vector<1x128xf32>
      %mul3A_1216 = arith.mulf %mul3A_1203, %sub3A_1215 : vector<1x128xf32>
      %slice3A_1217 = vector.extract_strided_slice %mul3A_1216 {offsets = [0, 87], sizes = [1, 1], strides = [1, 1]} : vector<1x128xf32> to vector<1x1xf32>
      %squeeze3A_1218 = vector.extract %slice3A_1217[0, 0] : f32 from vector<1x1xf32>
      %get3A_1219 = arith.constant 87 : index
      %get3A_1220 = arith.constant 0 : index
      %get3A_1221 = vector.load %arg6[%get3A_1219, %get3A_1220] : memref<128x128xf32, #tpu.memory_space<vmem>>, vector<1x128xf32>
      %get3A_1222 = vector.shape_cast %get3A_1221 : vector<1x128xf32> to vector<128xf32>
      %reshape3A_1223 = vector.shape_cast %get3A_1222 : vector<128xf32> to vector<1x128xf32>
      %mul3A_1224 = vector.broadcast %squeeze3A_1218 : f32 to vector<1x128xf32>
      %mul3A_1225 = arith.mulf %reshape3A_1223, %mul3A_1224 : vector<1x128xf32>
      %sub3A_1226 = arith.constant 1.000000e+00 : f32
      %sub3A_1227 = vector.broadcast %sub3A_1226 : f32 to vector<1x128xf32>
      %sub3A_1228 = arith.subf %sub3A_1227, %mul3A_1225 : vector<1x128xf32>
      %mul3A_1229 = arith.mulf %mul3A_1216, %sub3A_1228 : vector<1x128xf32>
      %slice3A_1230 = vector.extract_strided_slice %mul3A_1229 {offsets = [0, 88], sizes = [1, 1], strides = [1, 1]} : vector<1x128xf32> to vector<1x1xf32>
      %squeeze3A_1231 = vector.extract %slice3A_1230[0, 0] : f32 from vector<1x1xf32>
      %get3A_1232 = arith.constant 88 : index
      %get3A_1233 = arith.constant 0 : index
      %get3A_1234 = vector.load %arg6[%get3A_1232, %get3A_1233] : memref<128x128xf32, #tpu.memory_space<vmem>>, vector<1x128xf32>
      %get3A_1235 = vector.shape_cast %get3A_1234 : vector<1x128xf32> to vector<128xf32>
      %reshape3A_1236 = vector.shape_cast %get3A_1235 : vector<128xf32> to vector<1x128xf32>
      %mul3A_1237 = vector.broadcast %squeeze3A_1231 : f32 to vector<1x128xf32>
      %mul3A_1238 = arith.mulf %reshape3A_1236, %mul3A_1237 : vector<1x128xf32>
      %sub3A_1239 = arith.constant 1.000000e+00 : f32
      %sub3A_1240 = vector.broadcast %sub3A_1239 : f32 to vector<1x128xf32>
      %sub3A_1241 = arith.subf %sub3A_1240, %mul3A_1238 : vector<1x128xf32>
      %mul3A_1242 = arith.mulf %mul3A_1229, %sub3A_1241 : vector<1x128xf32>
      %slice3A_1243 = vector.extract_strided_slice %mul3A_1242 {offsets = [0, 89], sizes = [1, 1], strides = [1, 1]} : vector<1x128xf32> to vector<1x1xf32>
      %squeeze3A_1244 = vector.extract %slice3A_1243[0, 0] : f32 from vector<1x1xf32>
      %get3A_1245 = arith.constant 89 : index
      %get3A_1246 = arith.constant 0 : index
      %get3A_1247 = vector.load %arg6[%get3A_1245, %get3A_1246] : memref<128x128xf32, #tpu.memory_space<vmem>>, vector<1x128xf32>
      %get3A_1248 = vector.shape_cast %get3A_1247 : vector<1x128xf32> to vector<128xf32>
      %reshape3A_1249 = vector.shape_cast %get3A_1248 : vector<128xf32> to vector<1x128xf32>
      %mul3A_1250 = vector.broadcast %squeeze3A_1244 : f32 to vector<1x128xf32>
      %mul3A_1251 = arith.mulf %reshape3A_1249, %mul3A_1250 : vector<1x128xf32>
      %sub3A_1252 = arith.constant 1.000000e+00 : f32
      %sub3A_1253 = vector.broadcast %sub3A_1252 : f32 to vector<1x128xf32>
      %sub3A_1254 = arith.subf %sub3A_1253, %mul3A_1251 : vector<1x128xf32>
      %mul3A_1255 = arith.mulf %mul3A_1242, %sub3A_1254 : vector<1x128xf32>
      %slice3A_1256 = vector.extract_strided_slice %mul3A_1255 {offsets = [0, 90], sizes = [1, 1], strides = [1, 1]} : vector<1x128xf32> to vector<1x1xf32>
      %squeeze3A_1257 = vector.extract %slice3A_1256[0, 0] : f32 from vector<1x1xf32>
      %get3A_1258 = arith.constant 90 : index
      %get3A_1259 = arith.constant 0 : index
      %get3A_1260 = vector.load %arg6[%get3A_1258, %get3A_1259] : memref<128x128xf32, #tpu.memory_space<vmem>>, vector<1x128xf32>
      %get3A_1261 = vector.shape_cast %get3A_1260 : vector<1x128xf32> to vector<128xf32>
      %reshape3A_1262 = vector.shape_cast %get3A_1261 : vector<128xf32> to vector<1x128xf32>
      %mul3A_1263 = vector.broadcast %squeeze3A_1257 : f32 to vector<1x128xf32>
      %mul3A_1264 = arith.mulf %reshape3A_1262, %mul3A_1263 : vector<1x128xf32>
      %sub3A_1265 = arith.constant 1.000000e+00 : f32
      %sub3A_1266 = vector.broadcast %sub3A_1265 : f32 to vector<1x128xf32>
      %sub3A_1267 = arith.subf %sub3A_1266, %mul3A_1264 : vector<1x128xf32>
      %mul3A_1268 = arith.mulf %mul3A_1255, %sub3A_1267 : vector<1x128xf32>
      %slice3A_1269 = vector.extract_strided_slice %mul3A_1268 {offsets = [0, 91], sizes = [1, 1], strides = [1, 1]} : vector<1x128xf32> to vector<1x1xf32>
      %squeeze3A_1270 = vector.extract %slice3A_1269[0, 0] : f32 from vector<1x1xf32>
      %get3A_1271 = arith.constant 91 : index
      %get3A_1272 = arith.constant 0 : index
      %get3A_1273 = vector.load %arg6[%get3A_1271, %get3A_1272] : memref<128x128xf32, #tpu.memory_space<vmem>>, vector<1x128xf32>
      %get3A_1274 = vector.shape_cast %get3A_1273 : vector<1x128xf32> to vector<128xf32>
      %reshape3A_1275 = vector.shape_cast %get3A_1274 : vector<128xf32> to vector<1x128xf32>
      %mul3A_1276 = vector.broadcast %squeeze3A_1270 : f32 to vector<1x128xf32>
      %mul3A_1277 = arith.mulf %reshape3A_1275, %mul3A_1276 : vector<1x128xf32>
      %sub3A_1278 = arith.constant 1.000000e+00 : f32
      %sub3A_1279 = vector.broadcast %sub3A_1278 : f32 to vector<1x128xf32>
      %sub3A_1280 = arith.subf %sub3A_1279, %mul3A_1277 : vector<1x128xf32>
      %mul3A_1281 = arith.mulf %mul3A_1268, %sub3A_1280 : vector<1x128xf32>
      %slice3A_1282 = vector.extract_strided_slice %mul3A_1281 {offsets = [0, 92], sizes = [1, 1], strides = [1, 1]} : vector<1x128xf32> to vector<1x1xf32>
      %squeeze3A_1283 = vector.extract %slice3A_1282[0, 0] : f32 from vector<1x1xf32>
      %get3A_1284 = arith.constant 92 : index
      %get3A_1285 = arith.constant 0 : index
      %get3A_1286 = vector.load %arg6[%get3A_1284, %get3A_1285] : memref<128x128xf32, #tpu.memory_space<vmem>>, vector<1x128xf32>
      %get3A_1287 = vector.shape_cast %get3A_1286 : vector<1x128xf32> to vector<128xf32>
      %reshape3A_1288 = vector.shape_cast %get3A_1287 : vector<128xf32> to vector<1x128xf32>
      %mul3A_1289 = vector.broadcast %squeeze3A_1283 : f32 to vector<1x128xf32>
      %mul3A_1290 = arith.mulf %reshape3A_1288, %mul3A_1289 : vector<1x128xf32>
      %sub3A_1291 = arith.constant 1.000000e+00 : f32
      %sub3A_1292 = vector.broadcast %sub3A_1291 : f32 to vector<1x128xf32>
      %sub3A_1293 = arith.subf %sub3A_1292, %mul3A_1290 : vector<1x128xf32>
      %mul3A_1294 = arith.mulf %mul3A_1281, %sub3A_1293 : vector<1x128xf32>
      %slice3A_1295 = vector.extract_strided_slice %mul3A_1294 {offsets = [0, 93], sizes = [1, 1], strides = [1, 1]} : vector<1x128xf32> to vector<1x1xf32>
      %squeeze3A_1296 = vector.extract %slice3A_1295[0, 0] : f32 from vector<1x1xf32>
      %get3A_1297 = arith.constant 93 : index
      %get3A_1298 = arith.constant 0 : index
      %get3A_1299 = vector.load %arg6[%get3A_1297, %get3A_1298] : memref<128x128xf32, #tpu.memory_space<vmem>>, vector<1x128xf32>
      %get3A_1300 = vector.shape_cast %get3A_1299 : vector<1x128xf32> to vector<128xf32>
      %reshape3A_1301 = vector.shape_cast %get3A_1300 : vector<128xf32> to vector<1x128xf32>
      %mul3A_1302 = vector.broadcast %squeeze3A_1296 : f32 to vector<1x128xf32>
      %mul3A_1303 = arith.mulf %reshape3A_1301, %mul3A_1302 : vector<1x128xf32>
      %sub3A_1304 = arith.constant 1.000000e+00 : f32
      %sub3A_1305 = vector.broadcast %sub3A_1304 : f32 to vector<1x128xf32>
      %sub3A_1306 = arith.subf %sub3A_1305, %mul3A_1303 : vector<1x128xf32>
      %mul3A_1307 = arith.mulf %mul3A_1294, %sub3A_1306 : vector<1x128xf32>
      %slice3A_1308 = vector.extract_strided_slice %mul3A_1307 {offsets = [0, 94], sizes = [1, 1], strides = [1, 1]} : vector<1x128xf32> to vector<1x1xf32>
      %squeeze3A_1309 = vector.extract %slice3A_1308[0, 0] : f32 from vector<1x1xf32>
      %get3A_1310 = arith.constant 94 : index
      %get3A_1311 = arith.constant 0 : index
      %get3A_1312 = vector.load %arg6[%get3A_1310, %get3A_1311] : memref<128x128xf32, #tpu.memory_space<vmem>>, vector<1x128xf32>
      %get3A_1313 = vector.shape_cast %get3A_1312 : vector<1x128xf32> to vector<128xf32>
      %reshape3A_1314 = vector.shape_cast %get3A_1313 : vector<128xf32> to vector<1x128xf32>
      %mul3A_1315 = vector.broadcast %squeeze3A_1309 : f32 to vector<1x128xf32>
      %mul3A_1316 = arith.mulf %reshape3A_1314, %mul3A_1315 : vector<1x128xf32>
      %sub3A_1317 = arith.constant 1.000000e+00 : f32
      %sub3A_1318 = vector.broadcast %sub3A_1317 : f32 to vector<1x128xf32>
      %sub3A_1319 = arith.subf %sub3A_1318, %mul3A_1316 : vector<1x128xf32>
      %mul3A_1320 = arith.mulf %mul3A_1307, %sub3A_1319 : vector<1x128xf32>
      %slice3A_1321 = vector.extract_strided_slice %mul3A_1320 {offsets = [0, 95], sizes = [1, 1], strides = [1, 1]} : vector<1x128xf32> to vector<1x1xf32>
      %squeeze3A_1322 = vector.extract %slice3A_1321[0, 0] : f32 from vector<1x1xf32>
      %get3A_1323 = arith.constant 95 : index
      %get3A_1324 = arith.constant 0 : index
      %get3A_1325 = vector.load %arg6[%get3A_1323, %get3A_1324] : memref<128x128xf32, #tpu.memory_space<vmem>>, vector<1x128xf32>
      %get3A_1326 = vector.shape_cast %get3A_1325 : vector<1x128xf32> to vector<128xf32>
      %reshape3A_1327 = vector.shape_cast %get3A_1326 : vector<128xf32> to vector<1x128xf32>
      %mul3A_1328 = vector.broadcast %squeeze3A_1322 : f32 to vector<1x128xf32>
      %mul3A_1329 = arith.mulf %reshape3A_1327, %mul3A_1328 : vector<1x128xf32>
      %sub3A_1330 = arith.constant 1.000000e+00 : f32
      %sub3A_1331 = vector.broadcast %sub3A_1330 : f32 to vector<1x128xf32>
      %sub3A_1332 = arith.subf %sub3A_1331, %mul3A_1329 : vector<1x128xf32>
      %mul3A_1333 = arith.mulf %mul3A_1320, %sub3A_1332 : vector<1x128xf32>
      %slice3A_1334 = vector.extract_strided_slice %mul3A_1333 {offsets = [0, 96], sizes = [1, 1], strides = [1, 1]} : vector<1x128xf32> to vector<1x1xf32>
      %squeeze3A_1335 = vector.extract %slice3A_1334[0, 0] : f32 from vector<1x1xf32>
      %get3A_1336 = arith.constant 96 : index
      %get3A_1337 = arith.constant 0 : index
      %get3A_1338 = vector.load %arg6[%get3A_1336, %get3A_1337] : memref<128x128xf32, #tpu.memory_space<vmem>>, vector<1x128xf32>
      %get3A_1339 = vector.shape_cast %get3A_1338 : vector<1x128xf32> to vector<128xf32>
      %reshape3A_1340 = vector.shape_cast %get3A_1339 : vector<128xf32> to vector<1x128xf32>
      %mul3A_1341 = vector.broadcast %squeeze3A_1335 : f32 to vector<1x128xf32>
      %mul3A_1342 = arith.mulf %reshape3A_1340, %mul3A_1341 : vector<1x128xf32>
      %sub3A_1343 = arith.constant 1.000000e+00 : f32
      %sub3A_1344 = vector.broadcast %sub3A_1343 : f32 to vector<1x128xf32>
      %sub3A_1345 = arith.subf %sub3A_1344, %mul3A_1342 : vector<1x128xf32>
      %mul3A_1346 = arith.mulf %mul3A_1333, %sub3A_1345 : vector<1x128xf32>
      %slice3A_1347 = vector.extract_strided_slice %mul3A_1346 {offsets = [0, 97], sizes = [1, 1], strides = [1, 1]} : vector<1x128xf32> to vector<1x1xf32>
      %squeeze3A_1348 = vector.extract %slice3A_1347[0, 0] : f32 from vector<1x1xf32>
      %get3A_1349 = arith.constant 97 : index
      %get3A_1350 = arith.constant 0 : index
      %get3A_1351 = vector.load %arg6[%get3A_1349, %get3A_1350] : memref<128x128xf32, #tpu.memory_space<vmem>>, vector<1x128xf32>
      %get3A_1352 = vector.shape_cast %get3A_1351 : vector<1x128xf32> to vector<128xf32>
      %reshape3A_1353 = vector.shape_cast %get3A_1352 : vector<128xf32> to vector<1x128xf32>
      %mul3A_1354 = vector.broadcast %squeeze3A_1348 : f32 to vector<1x128xf32>
      %mul3A_1355 = arith.mulf %reshape3A_1353, %mul3A_1354 : vector<1x128xf32>
      %sub3A_1356 = arith.constant 1.000000e+00 : f32
      %sub3A_1357 = vector.broadcast %sub3A_1356 : f32 to vector<1x128xf32>
      %sub3A_1358 = arith.subf %sub3A_1357, %mul3A_1355 : vector<1x128xf32>
      %mul3A_1359 = arith.mulf %mul3A_1346, %sub3A_1358 : vector<1x128xf32>
      %slice3A_1360 = vector.extract_strided_slice %mul3A_1359 {offsets = [0, 98], sizes = [1, 1], strides = [1, 1]} : vector<1x128xf32> to vector<1x1xf32>
      %squeeze3A_1361 = vector.extract %slice3A_1360[0, 0] : f32 from vector<1x1xf32>
      %get3A_1362 = arith.constant 98 : index
      %get3A_1363 = arith.constant 0 : index
      %get3A_1364 = vector.load %arg6[%get3A_1362, %get3A_1363] : memref<128x128xf32, #tpu.memory_space<vmem>>, vector<1x128xf32>
      %get3A_1365 = vector.shape_cast %get3A_1364 : vector<1x128xf32> to vector<128xf32>
      %reshape3A_1366 = vector.shape_cast %get3A_1365 : vector<128xf32> to vector<1x128xf32>
      %mul3A_1367 = vector.broadcast %squeeze3A_1361 : f32 to vector<1x128xf32>
      %mul3A_1368 = arith.mulf %reshape3A_1366, %mul3A_1367 : vector<1x128xf32>
      %sub3A_1369 = arith.constant 1.000000e+00 : f32
      %sub3A_1370 = vector.broadcast %sub3A_1369 : f32 to vector<1x128xf32>
      %sub3A_1371 = arith.subf %sub3A_1370, %mul3A_1368 : vector<1x128xf32>
      %mul3A_1372 = arith.mulf %mul3A_1359, %sub3A_1371 : vector<1x128xf32>
      %slice3A_1373 = vector.extract_strided_slice %mul3A_1372 {offsets = [0, 99], sizes = [1, 1], strides = [1, 1]} : vector<1x128xf32> to vector<1x1xf32>
      %squeeze3A_1374 = vector.extract %slice3A_1373[0, 0] : f32 from vector<1x1xf32>
      %get3A_1375 = arith.constant 99 : index
      %get3A_1376 = arith.constant 0 : index
      %get3A_1377 = vector.load %arg6[%get3A_1375, %get3A_1376] : memref<128x128xf32, #tpu.memory_space<vmem>>, vector<1x128xf32>
      %get3A_1378 = vector.shape_cast %get3A_1377 : vector<1x128xf32> to vector<128xf32>
      %reshape3A_1379 = vector.shape_cast %get3A_1378 : vector<128xf32> to vector<1x128xf32>
      %mul3A_1380 = vector.broadcast %squeeze3A_1374 : f32 to vector<1x128xf32>
      %mul3A_1381 = arith.mulf %reshape3A_1379, %mul3A_1380 : vector<1x128xf32>
      %sub3A_1382 = arith.constant 1.000000e+00 : f32
      %sub3A_1383 = vector.broadcast %sub3A_1382 : f32 to vector<1x128xf32>
      %sub3A_1384 = arith.subf %sub3A_1383, %mul3A_1381 : vector<1x128xf32>
      %mul3A_1385 = arith.mulf %mul3A_1372, %sub3A_1384 : vector<1x128xf32>
      %slice3A_1386 = vector.extract_strided_slice %mul3A_1385 {offsets = [0, 100], sizes = [1, 1], strides = [1, 1]} : vector<1x128xf32> to vector<1x1xf32>
      %squeeze3A_1387 = vector.extract %slice3A_1386[0, 0] : f32 from vector<1x1xf32>
      %get3A_1388 = arith.constant 100 : index
      %get3A_1389 = arith.constant 0 : index
      %get3A_1390 = vector.load %arg6[%get3A_1388, %get3A_1389] : memref<128x128xf32, #tpu.memory_space<vmem>>, vector<1x128xf32>
      %get3A_1391 = vector.shape_cast %get3A_1390 : vector<1x128xf32> to vector<128xf32>
      %reshape3A_1392 = vector.shape_cast %get3A_1391 : vector<128xf32> to vector<1x128xf32>
      %mul3A_1393 = vector.broadcast %squeeze3A_1387 : f32 to vector<1x128xf32>
      %mul3A_1394 = arith.mulf %reshape3A_1392, %mul3A_1393 : vector<1x128xf32>
      %sub3A_1395 = arith.constant 1.000000e+00 : f32
      %sub3A_1396 = vector.broadcast %sub3A_1395 : f32 to vector<1x128xf32>
      %sub3A_1397 = arith.subf %sub3A_1396, %mul3A_1394 : vector<1x128xf32>
      %mul3A_1398 = arith.mulf %mul3A_1385, %sub3A_1397 : vector<1x128xf32>
      %slice3A_1399 = vector.extract_strided_slice %mul3A_1398 {offsets = [0, 101], sizes = [1, 1], strides = [1, 1]} : vector<1x128xf32> to vector<1x1xf32>
      %squeeze3A_1400 = vector.extract %slice3A_1399[0, 0] : f32 from vector<1x1xf32>
      %get3A_1401 = arith.constant 101 : index
      %get3A_1402 = arith.constant 0 : index
      %get3A_1403 = vector.load %arg6[%get3A_1401, %get3A_1402] : memref<128x128xf32, #tpu.memory_space<vmem>>, vector<1x128xf32>
      %get3A_1404 = vector.shape_cast %get3A_1403 : vector<1x128xf32> to vector<128xf32>
      %reshape3A_1405 = vector.shape_cast %get3A_1404 : vector<128xf32> to vector<1x128xf32>
      %mul3A_1406 = vector.broadcast %squeeze3A_1400 : f32 to vector<1x128xf32>
      %mul3A_1407 = arith.mulf %reshape3A_1405, %mul3A_1406 : vector<1x128xf32>
      %sub3A_1408 = arith.constant 1.000000e+00 : f32
      %sub3A_1409 = vector.broadcast %sub3A_1408 : f32 to vector<1x128xf32>
      %sub3A_1410 = arith.subf %sub3A_1409, %mul3A_1407 : vector<1x128xf32>
      %mul3A_1411 = arith.mulf %mul3A_1398, %sub3A_1410 : vector<1x128xf32>
      %slice3A_1412 = vector.extract_strided_slice %mul3A_1411 {offsets = [0, 102], sizes = [1, 1], strides = [1, 1]} : vector<1x128xf32> to vector<1x1xf32>
      %squeeze3A_1413 = vector.extract %slice3A_1412[0, 0] : f32 from vector<1x1xf32>
      %get3A_1414 = arith.constant 102 : index
      %get3A_1415 = arith.constant 0 : index
      %get3A_1416 = vector.load %arg6[%get3A_1414, %get3A_1415] : memref<128x128xf32, #tpu.memory_space<vmem>>, vector<1x128xf32>
      %get3A_1417 = vector.shape_cast %get3A_1416 : vector<1x128xf32> to vector<128xf32>
      %reshape3A_1418 = vector.shape_cast %get3A_1417 : vector<128xf32> to vector<1x128xf32>
      %mul3A_1419 = vector.broadcast %squeeze3A_1413 : f32 to vector<1x128xf32>
      %mul3A_1420 = arith.mulf %reshape3A_1418, %mul3A_1419 : vector<1x128xf32>
      %sub3A_1421 = arith.constant 1.000000e+00 : f32
      %sub3A_1422 = vector.broadcast %sub3A_1421 : f32 to vector<1x128xf32>
      %sub3A_1423 = arith.subf %sub3A_1422, %mul3A_1420 : vector<1x128xf32>
      %mul3A_1424 = arith.mulf %mul3A_1411, %sub3A_1423 : vector<1x128xf32>
      %slice3A_1425 = vector.extract_strided_slice %mul3A_1424 {offsets = [0, 103], sizes = [1, 1], strides = [1, 1]} : vector<1x128xf32> to vector<1x1xf32>
      %squeeze3A_1426 = vector.extract %slice3A_1425[0, 0] : f32 from vector<1x1xf32>
      %get3A_1427 = arith.constant 103 : index
      %get3A_1428 = arith.constant 0 : index
      %get3A_1429 = vector.load %arg6[%get3A_1427, %get3A_1428] : memref<128x128xf32, #tpu.memory_space<vmem>>, vector<1x128xf32>
      %get3A_1430 = vector.shape_cast %get3A_1429 : vector<1x128xf32> to vector<128xf32>
      %reshape3A_1431 = vector.shape_cast %get3A_1430 : vector<128xf32> to vector<1x128xf32>
      %mul3A_1432 = vector.broadcast %squeeze3A_1426 : f32 to vector<1x128xf32>
      %mul3A_1433 = arith.mulf %reshape3A_1431, %mul3A_1432 : vector<1x128xf32>
      %sub3A_1434 = arith.constant 1.000000e+00 : f32
      %sub3A_1435 = vector.broadcast %sub3A_1434 : f32 to vector<1x128xf32>
      %sub3A_1436 = arith.subf %sub3A_1435, %mul3A_1433 : vector<1x128xf32>
      %mul3A_1437 = arith.mulf %mul3A_1424, %sub3A_1436 : vector<1x128xf32>
      %slice3A_1438 = vector.extract_strided_slice %mul3A_1437 {offsets = [0, 104], sizes = [1, 1], strides = [1, 1]} : vector<1x128xf32> to vector<1x1xf32>
      %squeeze3A_1439 = vector.extract %slice3A_1438[0, 0] : f32 from vector<1x1xf32>
      %get3A_1440 = arith.constant 104 : index
      %get3A_1441 = arith.constant 0 : index
      %get3A_1442 = vector.load %arg6[%get3A_1440, %get3A_1441] : memref<128x128xf32, #tpu.memory_space<vmem>>, vector<1x128xf32>
      %get3A_1443 = vector.shape_cast %get3A_1442 : vector<1x128xf32> to vector<128xf32>
      %reshape3A_1444 = vector.shape_cast %get3A_1443 : vector<128xf32> to vector<1x128xf32>
      %mul3A_1445 = vector.broadcast %squeeze3A_1439 : f32 to vector<1x128xf32>
      %mul3A_1446 = arith.mulf %reshape3A_1444, %mul3A_1445 : vector<1x128xf32>
      %sub3A_1447 = arith.constant 1.000000e+00 : f32
      %sub3A_1448 = vector.broadcast %sub3A_1447 : f32 to vector<1x128xf32>
      %sub3A_1449 = arith.subf %sub3A_1448, %mul3A_1446 : vector<1x128xf32>
      %mul3A_1450 = arith.mulf %mul3A_1437, %sub3A_1449 : vector<1x128xf32>
      %slice3A_1451 = vector.extract_strided_slice %mul3A_1450 {offsets = [0, 105], sizes = [1, 1], strides = [1, 1]} : vector<1x128xf32> to vector<1x1xf32>
      %squeeze3A_1452 = vector.extract %slice3A_1451[0, 0] : f32 from vector<1x1xf32>
      %get3A_1453 = arith.constant 105 : index
      %get3A_1454 = arith.constant 0 : index
      %get3A_1455 = vector.load %arg6[%get3A_1453, %get3A_1454] : memref<128x128xf32, #tpu.memory_space<vmem>>, vector<1x128xf32>
      %get3A_1456 = vector.shape_cast %get3A_1455 : vector<1x128xf32> to vector<128xf32>
      %reshape3A_1457 = vector.shape_cast %get3A_1456 : vector<128xf32> to vector<1x128xf32>
      %mul3A_1458 = vector.broadcast %squeeze3A_1452 : f32 to vector<1x128xf32>
      %mul3A_1459 = arith.mulf %reshape3A_1457, %mul3A_1458 : vector<1x128xf32>
      %sub3A_1460 = arith.constant 1.000000e+00 : f32
      %sub3A_1461 = vector.broadcast %sub3A_1460 : f32 to vector<1x128xf32>
      %sub3A_1462 = arith.subf %sub3A_1461, %mul3A_1459 : vector<1x128xf32>
      %mul3A_1463 = arith.mulf %mul3A_1450, %sub3A_1462 : vector<1x128xf32>
      %slice3A_1464 = vector.extract_strided_slice %mul3A_1463 {offsets = [0, 106], sizes = [1, 1], strides = [1, 1]} : vector<1x128xf32> to vector<1x1xf32>
      %squeeze3A_1465 = vector.extract %slice3A_1464[0, 0] : f32 from vector<1x1xf32>
      %get3A_1466 = arith.constant 106 : index
      %get3A_1467 = arith.constant 0 : index
      %get3A_1468 = vector.load %arg6[%get3A_1466, %get3A_1467] : memref<128x128xf32, #tpu.memory_space<vmem>>, vector<1x128xf32>
      %get3A_1469 = vector.shape_cast %get3A_1468 : vector<1x128xf32> to vector<128xf32>
      %reshape3A_1470 = vector.shape_cast %get3A_1469 : vector<128xf32> to vector<1x128xf32>
      %mul3A_1471 = vector.broadcast %squeeze3A_1465 : f32 to vector<1x128xf32>
      %mul3A_1472 = arith.mulf %reshape3A_1470, %mul3A_1471 : vector<1x128xf32>
      %sub3A_1473 = arith.constant 1.000000e+00 : f32
      %sub3A_1474 = vector.broadcast %sub3A_1473 : f32 to vector<1x128xf32>
      %sub3A_1475 = arith.subf %sub3A_1474, %mul3A_1472 : vector<1x128xf32>
      %mul3A_1476 = arith.mulf %mul3A_1463, %sub3A_1475 : vector<1x128xf32>
      %slice3A_1477 = vector.extract_strided_slice %mul3A_1476 {offsets = [0, 107], sizes = [1, 1], strides = [1, 1]} : vector<1x128xf32> to vector<1x1xf32>
      %squeeze3A_1478 = vector.extract %slice3A_1477[0, 0] : f32 from vector<1x1xf32>
      %get3A_1479 = arith.constant 107 : index
      %get3A_1480 = arith.constant 0 : index
      %get3A_1481 = vector.load %arg6[%get3A_1479, %get3A_1480] : memref<128x128xf32, #tpu.memory_space<vmem>>, vector<1x128xf32>
      %get3A_1482 = vector.shape_cast %get3A_1481 : vector<1x128xf32> to vector<128xf32>
      %reshape3A_1483 = vector.shape_cast %get3A_1482 : vector<128xf32> to vector<1x128xf32>
      %mul3A_1484 = vector.broadcast %squeeze3A_1478 : f32 to vector<1x128xf32>
      %mul3A_1485 = arith.mulf %reshape3A_1483, %mul3A_1484 : vector<1x128xf32>
      %sub3A_1486 = arith.constant 1.000000e+00 : f32
      %sub3A_1487 = vector.broadcast %sub3A_1486 : f32 to vector<1x128xf32>
      %sub3A_1488 = arith.subf %sub3A_1487, %mul3A_1485 : vector<1x128xf32>
      %mul3A_1489 = arith.mulf %mul3A_1476, %sub3A_1488 : vector<1x128xf32>
      %slice3A_1490 = vector.extract_strided_slice %mul3A_1489 {offsets = [0, 108], sizes = [1, 1], strides = [1, 1]} : vector<1x128xf32> to vector<1x1xf32>
      %squeeze3A_1491 = vector.extract %slice3A_1490[0, 0] : f32 from vector<1x1xf32>
      %get3A_1492 = arith.constant 108 : index
      %get3A_1493 = arith.constant 0 : index
      %get3A_1494 = vector.load %arg6[%get3A_1492, %get3A_1493] : memref<128x128xf32, #tpu.memory_space<vmem>>, vector<1x128xf32>
      %get3A_1495 = vector.shape_cast %get3A_1494 : vector<1x128xf32> to vector<128xf32>
      %reshape3A_1496 = vector.shape_cast %get3A_1495 : vector<128xf32> to vector<1x128xf32>
      %mul3A_1497 = vector.broadcast %squeeze3A_1491 : f32 to vector<1x128xf32>
      %mul3A_1498 = arith.mulf %reshape3A_1496, %mul3A_1497 : vector<1x128xf32>
      %sub3A_1499 = arith.constant 1.000000e+00 : f32
      %sub3A_1500 = vector.broadcast %sub3A_1499 : f32 to vector<1x128xf32>
      %sub3A_1501 = arith.subf %sub3A_1500, %mul3A_1498 : vector<1x128xf32>
      %mul3A_1502 = arith.mulf %mul3A_1489, %sub3A_1501 : vector<1x128xf32>
      %slice3A_1503 = vector.extract_strided_slice %mul3A_1502 {offsets = [0, 109], sizes = [1, 1], strides = [1, 1]} : vector<1x128xf32> to vector<1x1xf32>
      %squeeze3A_1504 = vector.extract %slice3A_1503[0, 0] : f32 from vector<1x1xf32>
      %get3A_1505 = arith.constant 109 : index
      %get3A_1506 = arith.constant 0 : index
      %get3A_1507 = vector.load %arg6[%get3A_1505, %get3A_1506] : memref<128x128xf32, #tpu.memory_space<vmem>>, vector<1x128xf32>
      %get3A_1508 = vector.shape_cast %get3A_1507 : vector<1x128xf32> to vector<128xf32>
      %reshape3A_1509 = vector.shape_cast %get3A_1508 : vector<128xf32> to vector<1x128xf32>
      %mul3A_1510 = vector.broadcast %squeeze3A_1504 : f32 to vector<1x128xf32>
      %mul3A_1511 = arith.mulf %reshape3A_1509, %mul3A_1510 : vector<1x128xf32>
      %sub3A_1512 = arith.constant 1.000000e+00 : f32
      %sub3A_1513 = vector.broadcast %sub3A_1512 : f32 to vector<1x128xf32>
      %sub3A_1514 = arith.subf %sub3A_1513, %mul3A_1511 : vector<1x128xf32>
      %mul3A_1515 = arith.mulf %mul3A_1502, %sub3A_1514 : vector<1x128xf32>
      %slice3A_1516 = vector.extract_strided_slice %mul3A_1515 {offsets = [0, 110], sizes = [1, 1], strides = [1, 1]} : vector<1x128xf32> to vector<1x1xf32>
      %squeeze3A_1517 = vector.extract %slice3A_1516[0, 0] : f32 from vector<1x1xf32>
      %get3A_1518 = arith.constant 110 : index
      %get3A_1519 = arith.constant 0 : index
      %get3A_1520 = vector.load %arg6[%get3A_1518, %get3A_1519] : memref<128x128xf32, #tpu.memory_space<vmem>>, vector<1x128xf32>
      %get3A_1521 = vector.shape_cast %get3A_1520 : vector<1x128xf32> to vector<128xf32>
      %reshape3A_1522 = vector.shape_cast %get3A_1521 : vector<128xf32> to vector<1x128xf32>
      %mul3A_1523 = vector.broadcast %squeeze3A_1517 : f32 to vector<1x128xf32>
      %mul3A_1524 = arith.mulf %reshape3A_1522, %mul3A_1523 : vector<1x128xf32>
      %sub3A_1525 = arith.constant 1.000000e+00 : f32
      %sub3A_1526 = vector.broadcast %sub3A_1525 : f32 to vector<1x128xf32>
      %sub3A_1527 = arith.subf %sub3A_1526, %mul3A_1524 : vector<1x128xf32>
      %mul3A_1528 = arith.mulf %mul3A_1515, %sub3A_1527 : vector<1x128xf32>
      %slice3A_1529 = vector.extract_strided_slice %mul3A_1528 {offsets = [0, 111], sizes = [1, 1], strides = [1, 1]} : vector<1x128xf32> to vector<1x1xf32>
      %squeeze3A_1530 = vector.extract %slice3A_1529[0, 0] : f32 from vector<1x1xf32>
      %get3A_1531 = arith.constant 111 : index
      %get3A_1532 = arith.constant 0 : index
      %get3A_1533 = vector.load %arg6[%get3A_1531, %get3A_1532] : memref<128x128xf32, #tpu.memory_space<vmem>>, vector<1x128xf32>
      %get3A_1534 = vector.shape_cast %get3A_1533 : vector<1x128xf32> to vector<128xf32>
      %reshape3A_1535 = vector.shape_cast %get3A_1534 : vector<128xf32> to vector<1x128xf32>
      %mul3A_1536 = vector.broadcast %squeeze3A_1530 : f32 to vector<1x128xf32>
      %mul3A_1537 = arith.mulf %reshape3A_1535, %mul3A_1536 : vector<1x128xf32>
      %sub3A_1538 = arith.constant 1.000000e+00 : f32
      %sub3A_1539 = vector.broadcast %sub3A_1538 : f32 to vector<1x128xf32>
      %sub3A_1540 = arith.subf %sub3A_1539, %mul3A_1537 : vector<1x128xf32>
      %mul3A_1541 = arith.mulf %mul3A_1528, %sub3A_1540 : vector<1x128xf32>
      %slice3A_1542 = vector.extract_strided_slice %mul3A_1541 {offsets = [0, 112], sizes = [1, 1], strides = [1, 1]} : vector<1x128xf32> to vector<1x1xf32>
      %squeeze3A_1543 = vector.extract %slice3A_1542[0, 0] : f32 from vector<1x1xf32>
      %get3A_1544 = arith.constant 112 : index
      %get3A_1545 = arith.constant 0 : index
      %get3A_1546 = vector.load %arg6[%get3A_1544, %get3A_1545] : memref<128x128xf32, #tpu.memory_space<vmem>>, vector<1x128xf32>
      %get3A_1547 = vector.shape_cast %get3A_1546 : vector<1x128xf32> to vector<128xf32>
      %reshape3A_1548 = vector.shape_cast %get3A_1547 : vector<128xf32> to vector<1x128xf32>
      %mul3A_1549 = vector.broadcast %squeeze3A_1543 : f32 to vector<1x128xf32>
      %mul3A_1550 = arith.mulf %reshape3A_1548, %mul3A_1549 : vector<1x128xf32>
      %sub3A_1551 = arith.constant 1.000000e+00 : f32
      %sub3A_1552 = vector.broadcast %sub3A_1551 : f32 to vector<1x128xf32>
      %sub3A_1553 = arith.subf %sub3A_1552, %mul3A_1550 : vector<1x128xf32>
      %mul3A_1554 = arith.mulf %mul3A_1541, %sub3A_1553 : vector<1x128xf32>
      %slice3A_1555 = vector.extract_strided_slice %mul3A_1554 {offsets = [0, 113], sizes = [1, 1], strides = [1, 1]} : vector<1x128xf32> to vector<1x1xf32>
      %squeeze3A_1556 = vector.extract %slice3A_1555[0, 0] : f32 from vector<1x1xf32>
      %get3A_1557 = arith.constant 113 : index
      %get3A_1558 = arith.constant 0 : index
      %get3A_1559 = vector.load %arg6[%get3A_1557, %get3A_1558] : memref<128x128xf32, #tpu.memory_space<vmem>>, vector<1x128xf32>
      %get3A_1560 = vector.shape_cast %get3A_1559 : vector<1x128xf32> to vector<128xf32>
      %reshape3A_1561 = vector.shape_cast %get3A_1560 : vector<128xf32> to vector<1x128xf32>
      %mul3A_1562 = vector.broadcast %squeeze3A_1556 : f32 to vector<1x128xf32>
      %mul3A_1563 = arith.mulf %reshape3A_1561, %mul3A_1562 : vector<1x128xf32>
      %sub3A_1564 = arith.constant 1.000000e+00 : f32
      %sub3A_1565 = vector.broadcast %sub3A_1564 : f32 to vector<1x128xf32>
      %sub3A_1566 = arith.subf %sub3A_1565, %mul3A_1563 : vector<1x128xf32>
      %mul3A_1567 = arith.mulf %mul3A_1554, %sub3A_1566 : vector<1x128xf32>
      %slice3A_1568 = vector.extract_strided_slice %mul3A_1567 {offsets = [0, 114], sizes = [1, 1], strides = [1, 1]} : vector<1x128xf32> to vector<1x1xf32>
      %squeeze3A_1569 = vector.extract %slice3A_1568[0, 0] : f32 from vector<1x1xf32>
      %get3A_1570 = arith.constant 114 : index
      %get3A_1571 = arith.constant 0 : index
      %get3A_1572 = vector.load %arg6[%get3A_1570, %get3A_1571] : memref<128x128xf32, #tpu.memory_space<vmem>>, vector<1x128xf32>
      %get3A_1573 = vector.shape_cast %get3A_1572 : vector<1x128xf32> to vector<128xf32>
      %reshape3A_1574 = vector.shape_cast %get3A_1573 : vector<128xf32> to vector<1x128xf32>
      %mul3A_1575 = vector.broadcast %squeeze3A_1569 : f32 to vector<1x128xf32>
      %mul3A_1576 = arith.mulf %reshape3A_1574, %mul3A_1575 : vector<1x128xf32>
      %sub3A_1577 = arith.constant 1.000000e+00 : f32
      %sub3A_1578 = vector.broadcast %sub3A_1577 : f32 to vector<1x128xf32>
      %sub3A_1579 = arith.subf %sub3A_1578, %mul3A_1576 : vector<1x128xf32>
      %mul3A_1580 = arith.mulf %mul3A_1567, %sub3A_1579 : vector<1x128xf32>
      %slice3A_1581 = vector.extract_strided_slice %mul3A_1580 {offsets = [0, 115], sizes = [1, 1], strides = [1, 1]} : vector<1x128xf32> to vector<1x1xf32>
      %squeeze3A_1582 = vector.extract %slice3A_1581[0, 0] : f32 from vector<1x1xf32>
      %get3A_1583 = arith.constant 115 : index
      %get3A_1584 = arith.constant 0 : index
      %get3A_1585 = vector.load %arg6[%get3A_1583, %get3A_1584] : memref<128x128xf32, #tpu.memory_space<vmem>>, vector<1x128xf32>
      %get3A_1586 = vector.shape_cast %get3A_1585 : vector<1x128xf32> to vector<128xf32>
      %reshape3A_1587 = vector.shape_cast %get3A_1586 : vector<128xf32> to vector<1x128xf32>
      %mul3A_1588 = vector.broadcast %squeeze3A_1582 : f32 to vector<1x128xf32>
      %mul3A_1589 = arith.mulf %reshape3A_1587, %mul3A_1588 : vector<1x128xf32>
      %sub3A_1590 = arith.constant 1.000000e+00 : f32
      %sub3A_1591 = vector.broadcast %sub3A_1590 : f32 to vector<1x128xf32>
      %sub3A_1592 = arith.subf %sub3A_1591, %mul3A_1589 : vector<1x128xf32>
      %mul3A_1593 = arith.mulf %mul3A_1580, %sub3A_1592 : vector<1x128xf32>
      %slice3A_1594 = vector.extract_strided_slice %mul3A_1593 {offsets = [0, 116], sizes = [1, 1], strides = [1, 1]} : vector<1x128xf32> to vector<1x1xf32>
      %squeeze3A_1595 = vector.extract %slice3A_1594[0, 0] : f32 from vector<1x1xf32>
      %get3A_1596 = arith.constant 116 : index
      %get3A_1597 = arith.constant 0 : index
      %get3A_1598 = vector.load %arg6[%get3A_1596, %get3A_1597] : memref<128x128xf32, #tpu.memory_space<vmem>>, vector<1x128xf32>
      %get3A_1599 = vector.shape_cast %get3A_1598 : vector<1x128xf32> to vector<128xf32>
      %reshape3A_1600 = vector.shape_cast %get3A_1599 : vector<128xf32> to vector<1x128xf32>
      %mul3A_1601 = vector.broadcast %squeeze3A_1595 : f32 to vector<1x128xf32>
      %mul3A_1602 = arith.mulf %reshape3A_1600, %mul3A_1601 : vector<1x128xf32>
      %sub3A_1603 = arith.constant 1.000000e+00 : f32
      %sub3A_1604 = vector.broadcast %sub3A_1603 : f32 to vector<1x128xf32>
      %sub3A_1605 = arith.subf %sub3A_1604, %mul3A_1602 : vector<1x128xf32>
      %mul3A_1606 = arith.mulf %mul3A_1593, %sub3A_1605 : vector<1x128xf32>
      %slice3A_1607 = vector.extract_strided_slice %mul3A_1606 {offsets = [0, 117], sizes = [1, 1], strides = [1, 1]} : vector<1x128xf32> to vector<1x1xf32>
      %squeeze3A_1608 = vector.extract %slice3A_1607[0, 0] : f32 from vector<1x1xf32>
      %get3A_1609 = arith.constant 117 : index
      %get3A_1610 = arith.constant 0 : index
      %get3A_1611 = vector.load %arg6[%get3A_1609, %get3A_1610] : memref<128x128xf32, #tpu.memory_space<vmem>>, vector<1x128xf32>
      %get3A_1612 = vector.shape_cast %get3A_1611 : vector<1x128xf32> to vector<128xf32>
      %reshape3A_1613 = vector.shape_cast %get3A_1612 : vector<128xf32> to vector<1x128xf32>
      %mul3A_1614 = vector.broadcast %squeeze3A_1608 : f32 to vector<1x128xf32>
      %mul3A_1615 = arith.mulf %reshape3A_1613, %mul3A_1614 : vector<1x128xf32>
      %sub3A_1616 = arith.constant 1.000000e+00 : f32
      %sub3A_1617 = vector.broadcast %sub3A_1616 : f32 to vector<1x128xf32>
      %sub3A_1618 = arith.subf %sub3A_1617, %mul3A_1615 : vector<1x128xf32>
      %mul3A_1619 = arith.mulf %mul3A_1606, %sub3A_1618 : vector<1x128xf32>
      %slice3A_1620 = vector.extract_strided_slice %mul3A_1619 {offsets = [0, 118], sizes = [1, 1], strides = [1, 1]} : vector<1x128xf32> to vector<1x1xf32>
      %squeeze3A_1621 = vector.extract %slice3A_1620[0, 0] : f32 from vector<1x1xf32>
      %get3A_1622 = arith.constant 118 : index
      %get3A_1623 = arith.constant 0 : index
      %get3A_1624 = vector.load %arg6[%get3A_1622, %get3A_1623] : memref<128x128xf32, #tpu.memory_space<vmem>>, vector<1x128xf32>
      %get3A_1625 = vector.shape_cast %get3A_1624 : vector<1x128xf32> to vector<128xf32>
      %reshape3A_1626 = vector.shape_cast %get3A_1625 : vector<128xf32> to vector<1x128xf32>
      %mul3A_1627 = vector.broadcast %squeeze3A_1621 : f32 to vector<1x128xf32>
      %mul3A_1628 = arith.mulf %reshape3A_1626, %mul3A_1627 : vector<1x128xf32>
      %sub3A_1629 = arith.constant 1.000000e+00 : f32
      %sub3A_1630 = vector.broadcast %sub3A_1629 : f32 to vector<1x128xf32>
      %sub3A_1631 = arith.subf %sub3A_1630, %mul3A_1628 : vector<1x128xf32>
      %mul3A_1632 = arith.mulf %mul3A_1619, %sub3A_1631 : vector<1x128xf32>
      %slice3A_1633 = vector.extract_strided_slice %mul3A_1632 {offsets = [0, 119], sizes = [1, 1], strides = [1, 1]} : vector<1x128xf32> to vector<1x1xf32>
      %squeeze3A_1634 = vector.extract %slice3A_1633[0, 0] : f32 from vector<1x1xf32>
      %get3A_1635 = arith.constant 119 : index
      %get3A_1636 = arith.constant 0 : index
      %get3A_1637 = vector.load %arg6[%get3A_1635, %get3A_1636] : memref<128x128xf32, #tpu.memory_space<vmem>>, vector<1x128xf32>
      %get3A_1638 = vector.shape_cast %get3A_1637 : vector<1x128xf32> to vector<128xf32>
      %reshape3A_1639 = vector.shape_cast %get3A_1638 : vector<128xf32> to vector<1x128xf32>
      %mul3A_1640 = vector.broadcast %squeeze3A_1634 : f32 to vector<1x128xf32>
      %mul3A_1641 = arith.mulf %reshape3A_1639, %mul3A_1640 : vector<1x128xf32>
      %sub3A_1642 = arith.constant 1.000000e+00 : f32
      %sub3A_1643 = vector.broadcast %sub3A_1642 : f32 to vector<1x128xf32>
      %sub3A_1644 = arith.subf %sub3A_1643, %mul3A_1641 : vector<1x128xf32>
      %mul3A_1645 = arith.mulf %mul3A_1632, %sub3A_1644 : vector<1x128xf32>
      %slice3A_1646 = vector.extract_strided_slice %mul3A_1645 {offsets = [0, 120], sizes = [1, 1], strides = [1, 1]} : vector<1x128xf32> to vector<1x1xf32>
      %squeeze3A_1647 = vector.extract %slice3A_1646[0, 0] : f32 from vector<1x1xf32>
      %get3A_1648 = arith.constant 120 : index
      %get3A_1649 = arith.constant 0 : index
      %get3A_1650 = vector.load %arg6[%get3A_1648, %get3A_1649] : memref<128x128xf32, #tpu.memory_space<vmem>>, vector<1x128xf32>
      %get3A_1651 = vector.shape_cast %get3A_1650 : vector<1x128xf32> to vector<128xf32>
      %reshape3A_1652 = vector.shape_cast %get3A_1651 : vector<128xf32> to vector<1x128xf32>
      %mul3A_1653 = vector.broadcast %squeeze3A_1647 : f32 to vector<1x128xf32>
      %mul3A_1654 = arith.mulf %reshape3A_1652, %mul3A_1653 : vector<1x128xf32>
      %sub3A_1655 = arith.constant 1.000000e+00 : f32
      %sub3A_1656 = vector.broadcast %sub3A_1655 : f32 to vector<1x128xf32>
      %sub3A_1657 = arith.subf %sub3A_1656, %mul3A_1654 : vector<1x128xf32>
      %mul3A_1658 = arith.mulf %mul3A_1645, %sub3A_1657 : vector<1x128xf32>
      %slice3A_1659 = vector.extract_strided_slice %mul3A_1658 {offsets = [0, 121], sizes = [1, 1], strides = [1, 1]} : vector<1x128xf32> to vector<1x1xf32>
      %squeeze3A_1660 = vector.extract %slice3A_1659[0, 0] : f32 from vector<1x1xf32>
      %get3A_1661 = arith.constant 121 : index
      %get3A_1662 = arith.constant 0 : index
      %get3A_1663 = vector.load %arg6[%get3A_1661, %get3A_1662] : memref<128x128xf32, #tpu.memory_space<vmem>>, vector<1x128xf32>
      %get3A_1664 = vector.shape_cast %get3A_1663 : vector<1x128xf32> to vector<128xf32>
      %reshape3A_1665 = vector.shape_cast %get3A_1664 : vector<128xf32> to vector<1x128xf32>
      %mul3A_1666 = vector.broadcast %squeeze3A_1660 : f32 to vector<1x128xf32>
      %mul3A_1667 = arith.mulf %reshape3A_1665, %mul3A_1666 : vector<1x128xf32>
      %sub3A_1668 = arith.constant 1.000000e+00 : f32
      %sub3A_1669 = vector.broadcast %sub3A_1668 : f32 to vector<1x128xf32>
      %sub3A_1670 = arith.subf %sub3A_1669, %mul3A_1667 : vector<1x128xf32>
      %mul3A_1671 = arith.mulf %mul3A_1658, %sub3A_1670 : vector<1x128xf32>
      %slice3A_1672 = vector.extract_strided_slice %mul3A_1671 {offsets = [0, 122], sizes = [1, 1], strides = [1, 1]} : vector<1x128xf32> to vector<1x1xf32>
      %squeeze3A_1673 = vector.extract %slice3A_1672[0, 0] : f32 from vector<1x1xf32>
      %get3A_1674 = arith.constant 122 : index
      %get3A_1675 = arith.constant 0 : index
      %get3A_1676 = vector.load %arg6[%get3A_1674, %get3A_1675] : memref<128x128xf32, #tpu.memory_space<vmem>>, vector<1x128xf32>
      %get3A_1677 = vector.shape_cast %get3A_1676 : vector<1x128xf32> to vector<128xf32>
      %reshape3A_1678 = vector.shape_cast %get3A_1677 : vector<128xf32> to vector<1x128xf32>
      %mul3A_1679 = vector.broadcast %squeeze3A_1673 : f32 to vector<1x128xf32>
      %mul3A_1680 = arith.mulf %reshape3A_1678, %mul3A_1679 : vector<1x128xf32>
      %sub3A_1681 = arith.constant 1.000000e+00 : f32
      %sub3A_1682 = vector.broadcast %sub3A_1681 : f32 to vector<1x128xf32>
      %sub3A_1683 = arith.subf %sub3A_1682, %mul3A_1680 : vector<1x128xf32>
      %mul3A_1684 = arith.mulf %mul3A_1671, %sub3A_1683 : vector<1x128xf32>
      %slice3A_1685 = vector.extract_strided_slice %mul3A_1684 {offsets = [0, 123], sizes = [1, 1], strides = [1, 1]} : vector<1x128xf32> to vector<1x1xf32>
      %squeeze3A_1686 = vector.extract %slice3A_1685[0, 0] : f32 from vector<1x1xf32>
      %get3A_1687 = arith.constant 123 : index
      %get3A_1688 = arith.constant 0 : index
      %get3A_1689 = vector.load %arg6[%get3A_1687, %get3A_1688] : memref<128x128xf32, #tpu.memory_space<vmem>>, vector<1x128xf32>
      %get3A_1690 = vector.shape_cast %get3A_1689 : vector<1x128xf32> to vector<128xf32>
      %reshape3A_1691 = vector.shape_cast %get3A_1690 : vector<128xf32> to vector<1x128xf32>
      %mul3A_1692 = vector.broadcast %squeeze3A_1686 : f32 to vector<1x128xf32>
      %mul3A_1693 = arith.mulf %reshape3A_1691, %mul3A_1692 : vector<1x128xf32>
      %sub3A_1694 = arith.constant 1.000000e+00 : f32
      %sub3A_1695 = vector.broadcast %sub3A_1694 : f32 to vector<1x128xf32>
      %sub3A_1696 = arith.subf %sub3A_1695, %mul3A_1693 : vector<1x128xf32>
      %mul3A_1697 = arith.mulf %mul3A_1684, %sub3A_1696 : vector<1x128xf32>
      %slice3A_1698 = vector.extract_strided_slice %mul3A_1697 {offsets = [0, 124], sizes = [1, 1], strides = [1, 1]} : vector<1x128xf32> to vector<1x1xf32>
      %squeeze3A_1699 = vector.extract %slice3A_1698[0, 0] : f32 from vector<1x1xf32>
      %get3A_1700 = arith.constant 124 : index
      %get3A_1701 = arith.constant 0 : index
      %get3A_1702 = vector.load %arg6[%get3A_1700, %get3A_1701] : memref<128x128xf32, #tpu.memory_space<vmem>>, vector<1x128xf32>
      %get3A_1703 = vector.shape_cast %get3A_1702 : vector<1x128xf32> to vector<128xf32>
      %reshape3A_1704 = vector.shape_cast %get3A_1703 : vector<128xf32> to vector<1x128xf32>
      %mul3A_1705 = vector.broadcast %squeeze3A_1699 : f32 to vector<1x128xf32>
      %mul3A_1706 = arith.mulf %reshape3A_1704, %mul3A_1705 : vector<1x128xf32>
      %sub3A_1707 = arith.constant 1.000000e+00 : f32
      %sub3A_1708 = vector.broadcast %sub3A_1707 : f32 to vector<1x128xf32>
      %sub3A_1709 = arith.subf %sub3A_1708, %mul3A_1706 : vector<1x128xf32>
      %mul3A_1710 = arith.mulf %mul3A_1697, %sub3A_1709 : vector<1x128xf32>
      %slice3A_1711 = vector.extract_strided_slice %mul3A_1710 {offsets = [0, 125], sizes = [1, 1], strides = [1, 1]} : vector<1x128xf32> to vector<1x1xf32>
      %squeeze3A_1712 = vector.extract %slice3A_1711[0, 0] : f32 from vector<1x1xf32>
      %get3A_1713 = arith.constant 125 : index
      %get3A_1714 = arith.constant 0 : index
      %get3A_1715 = vector.load %arg6[%get3A_1713, %get3A_1714] : memref<128x128xf32, #tpu.memory_space<vmem>>, vector<1x128xf32>
      %get3A_1716 = vector.shape_cast %get3A_1715 : vector<1x128xf32> to vector<128xf32>
      %reshape3A_1717 = vector.shape_cast %get3A_1716 : vector<128xf32> to vector<1x128xf32>
      %mul3A_1718 = vector.broadcast %squeeze3A_1712 : f32 to vector<1x128xf32>
      %mul3A_1719 = arith.mulf %reshape3A_1717, %mul3A_1718 : vector<1x128xf32>
      %sub3A_1720 = arith.constant 1.000000e+00 : f32
      %sub3A_1721 = vector.broadcast %sub3A_1720 : f32 to vector<1x128xf32>
      %sub3A_1722 = arith.subf %sub3A_1721, %mul3A_1719 : vector<1x128xf32>
      %mul3A_1723 = arith.mulf %mul3A_1710, %sub3A_1722 : vector<1x128xf32>
      %slice3A_1724 = vector.extract_strided_slice %mul3A_1723 {offsets = [0, 126], sizes = [1, 1], strides = [1, 1]} : vector<1x128xf32> to vector<1x1xf32>
      %squeeze3A_1725 = vector.extract %slice3A_1724[0, 0] : f32 from vector<1x1xf32>
      %get3A_1726 = arith.constant 126 : index
      %get3A_1727 = arith.constant 0 : index
      %get3A_1728 = vector.load %arg6[%get3A_1726, %get3A_1727] : memref<128x128xf32, #tpu.memory_space<vmem>>, vector<1x128xf32>
      %get3A_1729 = vector.shape_cast %get3A_1728 : vector<1x128xf32> to vector<128xf32>
      %reshape3A_1730 = vector.shape_cast %get3A_1729 : vector<128xf32> to vector<1x128xf32>
      %mul3A_1731 = vector.broadcast %squeeze3A_1725 : f32 to vector<1x128xf32>
      %mul3A_1732 = arith.mulf %reshape3A_1730, %mul3A_1731 : vector<1x128xf32>
      %sub3A_1733 = arith.constant 1.000000e+00 : f32
      %sub3A_1734 = vector.broadcast %sub3A_1733 : f32 to vector<1x128xf32>
      %sub3A_1735 = arith.subf %sub3A_1734, %mul3A_1732 : vector<1x128xf32>
      %mul3A_1736 = arith.mulf %mul3A_1723, %sub3A_1735 : vector<1x128xf32>
      %reshape3A_1737 = vector.shape_cast %mul3A_1736 : vector<1x128xf32> to vector<128x1xf32>
      %swap3A_1738 = arith.index_cast %mul3A_11 : i32 to index
      %swap3A_1739 = arith.constant 0 : index
      %swap3A_1740 = vector.load %arg5[%swap3A_1738, %swap3A_1739] : memref<5120x1xf32, #tpu.memory_space<vmem>>, vector<128x1xf32>
      tpu.vector_store %arg5[%swap3A_1738, %swap3A_1739], %reshape3A_1737 {strides = array<i32>} : memref<5120x1xf32, #tpu.memory_space<vmem>>, vector<128x1xf32>,
      %reshape3A_1741 = vector.shape_cast %mul3A_1736 : vector<1x128xf32> to vector<1x1x128xf32>
      %swap3A_1742 = arith.constant 0 : index
      %swap3A_1743 = arith.constant 0 : index
      %swap3A_1744 = arith.constant 0 : index
      %swap3A_1745 = vector.load %arg4[%swap3A_1742, %swap3A_1743, %swap3A_1744] : memref<1x1x128xf32, #tpu.memory_space<vmem>>, vector<1x1x128xf32>
      tpu.vector_store %arg4[%swap3A_1742, %swap3A_1743, %swap3A_1744], %reshape3A_1741 {strides = array<i32>} : memref<1x1x128xf32, #tpu.memory_space<vmem>>, vector<1x1x128xf32>,
    } else {
    }
    return
  }
  func.func @transform_0(%arg0: i32, %arg1: memref<1xi32, #tpu.memory_space<smem>>) -> (i32, i32) {
    %c0_i32 = arith.constant 0 : i32
    %c0_i32_0 = arith.constant 0 : i32
    %c0_i32_1 = arith.constant 0 : i32
    return %c0_i32, %c0_i32_0 : i32, i32
  }
  func.func @transform_1(%arg0: i32, %arg1: memref<1xi32, #tpu.memory_space<smem>>) -> (i32, i32) {
    %c0_i32 = arith.constant 0 : i32
    %c0_i32_0 = arith.constant 0 : i32
    %c0_i32_1 = arith.constant 0 : i32
    return %c0_i32, %c0_i32_0 : i32, i32
  }
  func.func @transform_2(%arg0: i32, %arg1: memref<1xi32, #tpu.memory_space<smem>>) -> (i32, i32, i32) {
    %c0_i32 = arith.constant 0 : i32
    %c0_i32_0 = arith.constant 0 : i32
    %c0_i32_1 = arith.constant 0 : i32
    return %arg0, %c0_i32, %c0_i32_0 : i32, i32, i32
  }
}

</mosaic_0001>

<sc_bundles>
// kernel: gather_offload_async_start
scs
__scs_entry_jumppad:
0x0: {  	(pc) =	sbr.rel $0x88, $3  }
0x1: {  	(tag) =	ssettag $0x0;
	lr =	simm.s32 $0x1  }
0x2: {  	[smem:$0x3FA0] =	sst lr;
	_ =	strace $0xD0000000  }
0x3: {  	_ = 	snop  }
0x4: {  	_ = 	snop  }
0x5: {  	_ = 	snop  }
0x6: {  	_ = 	snop  }
0x7: {  	_ = 	snop  }
__scs_overlays_trampoline_lowered:
0x8: {  	[smem:$0x3FAF] =	sst s0  }
0x9: {  	[smem:$0x3FB0] =	sst s1  }
0xa: {  	[smem:$0x3FB1] =	sst s2  }
0xb: {  	[smem:$0x3FB2] =	sst s3  }
0xc: {  	[smem:$0x3FB3] =	sst s4  }
0xd: {  	[smem:$0x3FB4] =	sst s5  }
0xe: {  	[smem:$0x3FB5] =	sst s6  }
0xf: {  	[smem:$0x3FB6] =	sst s7  }
0x10: {  	[smem:$0x3FB7] =	sst s8  }
0x11: {  	[smem:$0x3FB8] =	sst s9;
	s0 =	simm.s32 @!p0 $0x0  }
0x12: {  	s1 =	sld [smem:$0x3F9E];
	s0 =	simm.s32 @p0 $0x1  }
0x13: {  	[smem:$0x3FB9] =	sst s0;
	s0 =	simm.s32 @!p1 $0x0  }
0x14: {  	s2 =	sld [smem:$0x3F9D];
	s0 =	simm.s32 @p1 $0x1  }
0x15: {  	[smem:$0x3FBA] =	sst s0;
	s0 =	simm.s32 @!p2 $0x0  }
0x16: {  	s3 =	sld [smem:$0x3FDB];
	s0 =	simm.s32 @p2 $0x1  }
0x17: {  	s4 =	simm.s32 $0x1BF5;
	[smem:$0x3FBC] =	sst s0  }
0x18: {  	s0 =	sld [smem:$0x3F9F];
	_ =	swait.ge [sflag:s4], $0x0  }
0x19: {  	s7 =	sld [smem:$0x3FA0]  }
0x1a: {  	s8 =	sadd.s32 $0xFFFFE003, lr  }
0x1b: {  	s9 =	sadd.s32 $0xFFFFFEF7, lr;
	s5 =	simm.s32 $0xFFFFFFFF;
	p2 =	slt.u32 s8, $0xFFFFF086  }
0x1c: {  	p1 =	slt.u32 s9, $0xF7A;
	s5 =	simm.s32 @!p2 $0x0  }
0x1d: {  	s5 =	simm.s32 @p1 $0x1;
	p0 =	seq.s32 s7, s2  }
0x1e: {  	s7 =	smul.u32 @!p0 $0xF7A, s2;
	p2 =	seq.s32 @!p0 s5, $0x0  }
0x1f: {  	s9 =	smul.u32 $0xF7A, s1;
	s8 =	simm.s32 @!p0 $0x1BF5;
	p2 =	por !p2, p0  }
0x20: {  	[sflag:s8] =	ssyncset.s32 @!p0 $0xFFFFF086;
	s6 =	sadd.s32 @!p0 s3, s7;
	s7 =	simm.s32 @!p0 $0x108  }
0x21: {  	s3 =	sadd.s32 s3, s9;
	s6 =	sadd.s32 @!p0 $0x88, s6;
	s7 =	simm.s32 @p2 $0x1082  }
0x22: {  	[simem:s7], [sflag:s8] =	dma.local @!p0 [hbm:s6], $0xF7A  }
0x23: {  	s9 =	sor.u32 $0xD0000000, s2;
	s6 =	simm.s32 $0x108;
	_ =	swait.ge @!p0 [sflag:s8], $0x0  }
0x24: {  	s3 =	sadd.s32 $0x88, s3;
	s6 =	simm.s32 @!p1 $0x1082;
	[sflag:s4] =	ssyncset.s32 $0xFFFFF086  }
0x25: {  	[simem:s6], [sflag:s4] =	dma.local [hbm:s3], $0xF7A  }
0x26: {  	[smem:$0x3FA0] =	sst s1;
	(tag) =	ssettag s2;
	_ =	strace s9  }
0x27: {  	s1 =	sld [smem:$0x3FB0]  }
0x28: {  	s2 =	sld [smem:$0x3FB1]  }
0x29: {  	s4 =	sld [smem:$0x3FB3]  }
0x2a: {  	p0 =	seq.s32 s5, $0x0;
	s5 =	sld [smem:$0x3FB4]  }
0x2b: {  	s6 =	sld [smem:$0x3FB5]  }
0x2c: {  	s7 =	sld [smem:$0x3FB6]  }
0x2d: {  	s3 =	simm.s32 $0x108;
	s8 =	sld [smem:$0x3FB7]  }
0x2e: {  	s3 =	simm.s32 @!p0 $0x1082;
	s9 =	sld [smem:$0x3FB8]  }
0x2f: {  	lr =	sadd.s32 s0, s3;
	s0 =	sld [smem:$0x3FAF]  }
0x30: {  	s3 =	sld [smem:$0x3FB2]  }
0x31: {  	[smem:$0x3FBB] =	sst s10  }
0x32: {  	s10 =	sld [smem:$0x3FB9];
	_ =	sdelay $0x3  }
0x33: {  	p0 =	seq.s32 s10, $0x1;
	s10 =	sld [smem:$0x3FBB];
	_ =	sdelay $0x3  }
0x34: {  	[smem:$0x3FBB] =	sst s10  }
0x35: {  	s10 =	sld [smem:$0x3FBA];
	_ =	sdelay $0x3  }
0x36: {  	p1 =	seq.s32 s10, $0x1;
	s10 =	sld [smem:$0x3FBB];
	_ =	sdelay $0x3  }
0x37: {  	[smem:$0x3FBB] =	sst s10  }
0x38: {  	s10 =	sld [smem:$0x3FBC]  }
0x39: {  	_ = 	snop;
	(pc) =	sbr.ind lr, $3  }
0x3a: {  	_ = 	snop  }
0x3b: {  	_ = 	snop  }
0x3c: {  	p2 =	seq.s32 s10, $0x1;
	s10 =	sld [smem:$0x3FBB]  }
0x3d: {  	_ =	shalt  }
0x3e: {  	_ =	shalt  }
0x3f: {  	_ =	shalt  }
0x40: {  	_ =	shalt  }
0x41: {  	_ =	shalt  }
0x42: {  	_ =	shalt  }
0x43: {  	_ =	shalt  }
0x44: {  	_ =	shalt  }
0x45: {  	_ =	shalt  }
0x46: {  	_ =	shalt  }
0x47: {  	_ =	shalt  }
0x48: {  	_ =	shalt  }
0x49: {  	_ =	shalt  }
0x4a: {  	_ =	shalt  }
0x4b: {  	_ =	shalt  }
0x4c: {  	_ =	shalt  }
0x4d: {  	_ =	shalt  }
0x4e: {  	_ =	shalt  }
0x4f: {  	_ =	shalt  }
0x50: {  	_ =	shalt  }
0x51: {  	_ =	shalt  }
0x52: {  	_ =	shalt  }
0x53: {  	_ =	shalt  }
0x54: {  	_ =	shalt  }
0x55: {  	_ =	shalt  }
0x56: {  	_ =	shalt  }
0x57: {  	_ =	shalt  }
0x58: {  	_ =	shalt  }
0x59: {  	_ =	shalt  }
0x5a: {  	_ =	shalt  }
0x5b: {  	_ =	shalt  }
0x5c: {  	_ =	shalt  }
0x5d: {  	_ =	shalt  }
0x5e: {  	_ =	shalt  }
0x5f: {  	_ =	shalt  }
0x60: {  	_ =	shalt  }
0x61: {  	_ =	shalt  }
0x62: {  	_ =	shalt  }
0x63: {  	_ =	shalt  }
0x64: {  	_ =	shalt  }
0x65: {  	_ =	shalt  }
0x66: {  	_ =	shalt  }
0x67: {  	_ =	shalt  }
0x68: {  	_ =	shalt  }
0x69: {  	_ =	shalt  }
0x6a: {  	_ =	shalt  }
0x6b: {  	_ =	shalt  }
0x6c: {  	_ =	shalt  }
0x6d: {  	_ =	shalt  }
0x6e: {  	_ =	shalt  }
0x6f: {  	_ =	shalt  }
0x70: {  	_ =	shalt  }
0x71: {  	_ =	shalt  }
0x72: {  	_ =	shalt  }
0x73: {  	_ =	shalt  }
0x74: {  	_ =	shalt  }
0x75: {  	_ =	shalt  }
0x76: {  	_ =	shalt  }
0x77: {  	_ =	shalt  }
0x78: {  	_ =	shalt  }
0x79: {  	_ =	shalt  }
0x7a: {  	_ =	shalt  }
0x7b: {  	_ =	shalt  }
0x7c: {  	_ =	shalt  }
0x7d: {  	_ =	shalt  }
0x7e: {  	_ =	shalt  }
0x7f: {  	_ =	shalt  }
0x80: {  	_ =	shalt  }
0x81: {  	_ =	shalt  }
0x82: {  	_ =	shalt  }
0x83: {  	_ =	shalt  }
0x84: {  	_ =	shalt  }
0x85: {  	_ =	shalt  }
0x86: {  	_ =	shalt  }
0x87: {  	_ =	shalt  }
.Lfunc_end0:
.L_simem_size_0:
called_computation_lowered:
.L_overlay_start_0:
0x88: {  	s2 =	sld [smem:$0x3FD9]  }
0x89: {  	s3 =	sld [smem:$0x3FFE];
	_ =	sdelay $0x1  }
0x8a: {  	s1 =	srdreg.scid  }
0x8b: {  	s0 =	sand.u32 $0x1, s1  }
0x8c: {  	s16 =	sshll.u32 s0, $0xA;
	s2 =	sadd.s32 s3, s2  }
0x8d: {  	s2 =	sadd.s32 s2, s16  }
0x8e: {  	[smem:$0x3FC7] =	sst s2  }
0x8f: {  	_ = 	snop  }
0x90: {  	(tm) =	ssettm $0x1  }
0x91: {  	s17 =	sld [smem:$0x3FFB];
	_ =	sdelay $0x3  }
0x92: {  	_ =	strace s17  }
0x93: {  	s2 =	sld [smem:$0x3FFC];
	_ =	sdelay $0x3  }
0x94: {  	_ =	strace s2  }
0x95: {  	s2 =	sld [smem:$0x3FFD];
	_ =	sdelay $0x3  }
0x96: {  	_ =	strace s2  }
0x97: {  	_ =	strace $0x8FFFFFFF  }
0x98: {  	s18 =	sld [smem:$0x3FDB];
	_ =	sdelay $0x1  }
0x99: {  	s19 =	simm.s32 $_scs_section_size  }
0x9a: {  	s4 =	simm.s32 $_size__tile_overlayer_lowered;
	s5 =	simm.s32 $_tile_overlayer_lowered  }
0x9b: {  	s22 =	simm.s32 $0x1BFF;
	s21 =	sshll.u32 s5, $0x1;
	s2 =	sadd.s32 s19, s18  }
0x9c: {  	s6 =	simm.s32 $0x0;
	s20 =	sshll.u32 s4, $0x1;
	s4 =	sadd.s32 s21, s2  }
0x9d: {  	[timem:s6], [sflag:s22] =	dma.local [hbm:s4], s20  }
0x9e: {  	_ =	swait.ge [sflag:s22], s20  }
0x9f: {  	s3 =	ssub.s32 $0x0, s20;
	[sflag:s22] =	ssyncset.done $0x0  }
0xa0: {  	[sflag:s22] =	ssyncadd.s32 s3;
	_ =	sdelay $0x1  }
0xa1: {  	s23 =	simm.s32 $0x1B8B  }
0xa2: {  	_ =	swait.ge [sflag:s23], $0x1  }
0xa3: {  	[sflag:s23] =	ssyncset.done $0x0  }
0xa4: {  	s25 =	simm.s32 $0x1B8E;
	s24 =	sld [smem:$0x3FFE];
	[sflag:s23] =	ssyncadd.s32 $0xFFFFFFFF  }
0xa5: {  	s26 =	simm.s32 $execute0_lowered;
	[smem:$0x3FD2] =	sst s25  }
0xa6: {  	s4 =	sshll.u32 s26, $0x1;
	_ =	strace $0x80000046;
	[dreg:$0x1] =	wrdreg $0xFFFFFFFF  }
0xa7: {  	s28 =	simm.s32 $_size_execute0_lowered;
	s2 =	sadd.s32 s2, s4;
	[dreg:$0x0] =	wrdreg $0x0  }
0xa8: {  	s4 =	sshll.u32 s28, $0x1;
	[dreg:$0x2] =	wrdreg s2  }
0xa9: {  	[dreg:$0x3] =	wrdreg s4  }
0xaa: {  	[dreg:$0x4] =	wrdreg $0xC0  }
0xab: {  	_ =	task [dreg:s6], $0x5FFFF  }
0xac: {  	[dreg:$0x1] =	wrdreg $0xFFFFFFFF  }
0xad: {  	[dreg:$0x0] =	wrdreg $0x60  }
0xae: {  	[dreg:$0x2] =	wrdreg s24  }
0xaf: {  	[dreg:$0x3] =	wrdreg $0x9  }
0xb0: {  	_ =	task.clear_ibuf [dreg:s6], $0x4FFFF;
	_ =	strace $0x90000046  }
0xb1: {  	s29 =	simm.s32 $0x9;
	_ =	strace $0x80000048  }
0xb2: {  	_ =	swait.ge [sflag:s29], $0x1  }
0xb3: {  	[sflag:s29] =	ssyncadd.s32 $0xFFFFFFFF  }
0xb4: {  	_ =	strace $0x90000048  }
0xb5: {  	_ =	sfence  }
0xb6: {  	s30 =	sld [smem:$0x0];
	_ =	sdelay $0x2  }
0xb7: {  	s31 =	sshll.u32 s1, $0xD;
	s1 =	sshrl.u32 s1, $0x2  }
0xb8: {  	s3 =	sand.u32 $0x4000, s31;
	s1 =	sadd.s32 s1, s30  }
0xb9: {  	s0 =	sor.u32 s3, s0;
	s1 =	sshll.u32 s1, $0x11  }
0xba: {  	s0 =	sor.u32 s1, s0  }
0xbb: {  	s0 =	sadd.s32 $0x8F2B, s0  }
0xbc: {  	[sflag:s0] =	ssyncadd.remote.s32 $0x1  }
0xbd: {  	_ =	sfence.sel $0xFFFF  }
0xbe: {  	[dreg:$0x0] =	wrdreg $0xFFFFFFFF;
	(pc) =	sbr.abs _section_cstart, $3  }
0xbf: {  	[dreg:$0x1] =	wrdreg $0xFFFFFFFF  }
0xc0: {  	_ =	task.clear_ibuf [dreg:s6], $0x2FFFF;
	_ =	strace $0x9FFFFFFF  }
0xc1: {  	(tm) =	ssettm $0x7FFFFFFF  }
tec
execute0_lowered:
.L_overlay_start_1:
0x0: {  	(tag) =	ssettag $0x1  }
0x1: {  	s0 =	srdreg.scid  }
0x2: {  	s1 =	sshll.u32 s0, $0x4  }
0x3: {  	s0 =	stileid.u32;
	s1 =	sand.u32 $0x10, s1  }
0x4: {  	s1 =	sor.u32 s0, s1  }
0x5: {  	s3 =	rddreg [dreg:$0x0];
	s2 =	smin.u32 s1, $0x8  }
0x6: {  	p0 =	slt.u32 s1, $0x8;
	s2 =	sadd.s32 s1, s2;
	s1 =	simm.s32 $0x100  }
0x7: {  	s6 =	simm.s32 $0x1;
	s2 =	sshll.u32 s2, $0x7;
	s1 =	simm.s32 @!p0 $0x80  }
0x8: {  	s7 =	simm.s32 $0x2;
	s10 =	simm.s32 $0x3;
	s4 =	sadd.s32 s1, s2  }
0x9: {  	s13 =	simm.s32 $0x0;
	s12 =	simm.s32 $0x0;
	s4 =	smin.u32 s4, $0x1400  }
.Ltmp0:
0xa: {  	s5 =	sadd.s32 $0x14000, s3;
	s8 =	ssub.s32 s4, s2;
	(pc) =	sbr.rel .LBB2_1-.Ltmp0, $4  }
0xb: {  	s1 =	rddreg [dreg:$0x1];
	_ =	strace $0x80000047;
	p0 =	sgt.s32 s8, $0x0  }
0xc: {  	s9 =	sadd.s32 $0x14400, s3;
	[sflag:s6] =	ssyncpa.u1 $0x0;
	s8 =	simm.s32 @!p0 $0x0  }
0xd: {  	s11 =	smov.u32 s2;
	[sflag:s7] =	ssyncpa.u1 $0x0;
	s8 =	sshrl.u32 s8, $0x7  }
0xe: {  	vm0 =	vmmov $0xff;
	vm1 =	vcmask $0x3F20;
	[sflag:s10] =	ssyncpa.u1 $0x0;
	p0 =	por $0x0, $0x0;
	s10 =	sadd.s32 $0x1, s8  }
.LBB2_6:
0xf: {  	[hbm:s17] =	stream.linear.scatter [tilespmem:s14], [sflag:$0x3], $0x400, $0x38;
	[tilespmem:$0x8100] =	vst v63  }
.LBB2_7:
0x10: {  	s13 =	sadd.s32 $0x80, s11  }
0x11: {  	s15 =	smov.u32 s2;
	p2 =	slt.s32 s13, s4  }
0x12: {  	s15 =	smov.u32 @p2 s13;
	p2 =	sne.s32 s12, s10  }
.Ltmp1:
0x13: {  	p1 =	slt.u32 s12, $0x2;
	(pc) =	sbr.rel @!p2 .LBB2_8-.Ltmp1, $4  }
0x14: {  	s14 =	simm.s32 @!p1 $0x3  }
0x15: {  	s16 =	sadd.s32 $0x1, s12;
	_ =	swait.ge @!p1 [sflag:s14], $0x4000  }
0x16: {  	p0 =	por !p0, !p0;
	s13 =	smov.u32 s11;
	[sflag:s14] =	ssyncset.done @!p1 $0x0  }
0x17: {  	s12 =	smov.u32 s16;
	s11 =	smov.u32 s15;
	[sflag:s14] =	ssyncadd.s32 @!p1 $0xFFFFC000  }
.LBB2_1:
0x18: {  	p1 =	sge.u32 s12, s8  }
0x19: {  	s14 =	sxor.u32 @!p1 $0xFFFFFFFF, s12  }
0x1a: {  	s31 =	sadd.s32 $0xFFFFFFFF, s12;
	s15 =	sshrl.u32 @!p1 s11, $0x3;
	s14 =	sshll.u32 @!p1 s14, $0x7  }
0x1b: {  	s16 =	sand.u32 @!p1 $0x7, s11;
	s15 =	sadd.s32 @!p1 s5, s15;
	s14 =	sand.u32 @!p1 $0x80, s14  }
0x1c: {  	[tilespmem:s14], [sflag:$0x2] =	stream.linear.gather @!p1 [hbm4b:s15+s16], $0x80, $0x38;
	[tilespmem:$0x8100] =	vst v63  }
0x1d: {  	p1 =	sge.u32 s31, s8  }
.Ltmp2:
0x1e: {  	_ = 	snop;
	(pc) =	sbr.rel @p1 .LBB2_7-.Ltmp2, $1  }
0x1f: {  	_ =	sdelay $0x3  }
0x20: {  	s14 =	simm.s32 $0x1  }
0x21: {  	_ =	swait.ge [sflag:s7], $0x80;
	s14 =	simm.s32 @!p0 $0x0  }
0x22: {  	[sflag:s7] =	ssyncset.done $0x0;
	s16 =	sshll.u32 s14, $0x7  }
0x23: {  	[sflag:s7] =	ssyncadd.s32 $0xFFFFFF80;
	s15 =	sadd.s32 $0x0, s16  }
0x24: {  	v0 =	vld.msk [tilespmem:s15+$0x0 ss:$0x1], $0xffff;
	_ =	sdelay $0x4  }
0x25: {  	vm2 =	vgt.s32 v0, $0x0  }
0x26: {  	v0 =	vnsel vm2, $0x0, v0  }
0x27: {  	v0 =	vmin.u32 v0, $0x13FF  }
0x28: {  	v0 =	vshll.u32 v0, $0x4;
	_ =	sdelay $0x2  }
0x29: {  	s14 =	sshll.u32 s14, $0xE  }
0x2a: {  	s14 =	sor.u32 $0x100, s14  }
0x2b: {  	[tilespmem:s14], [sflag:$0x1] =	stream.indirect_vreg.gather [hbm:s3], $0x80, v0, vm0, $0x38;
	[tilespmem:$0x8100] =	vst v63  }
0x2c: {  	s17 =	sadd.s32 $0x10, s16;
	s15 =	sadd.s32 $0x400, s14  }
0x2d: {  	[tilespmem:s15], [sflag:$0x1] =	stream.indirect_vreg.gather [hbm:s3], $0x80, v0, vm1, $0x38;
	[tilespmem:$0x8100] =	vst v63  }
0x2e: {  	s18 =	simm.s32 $0x80;
	v0 =	vld.msk [tilespmem:s17+$0x0 ss:$0x1], $0xffff;
	s17 =	smov.u32 s14  }
.LBB2_3:
0x2f: {  	p1 =	sne.s32 s18, $0x1C0;
	_ =	sdelay $0x4  }
0x30: {  	vm2 =	vgt.s32 v0, $0x0  }
0x31: {  	v0 =	vnsel vm2, $0x0, v0  }
0x32: {  	v0 =	vmin.u32 v0, $0x13FF  }
0x33: {  	v0 =	vshll.u32 v0, $0x4;
	_ =	sdelay $0x3  }
.Ltmp3:
0x34: {  	s19 =	sshra.s32 s18, $0x2;
	s17 =	sadd.s32 $0x800, s17;
	(pc) =	sbr.rel @p1 .LBB2_3-.Ltmp3, $4  }
0x35: {  	[tilespmem:s17], [sflag:$0x1] =	stream.indirect_vreg.gather [hbm:s3], $0x80, v0, vm0, $0x38;
	[tilespmem:$0x8100] =	vst v63  }
0x36: {  	s19 =	sadd.s32 s19, s16;
	s20 =	sadd.s32 $0x400, s17  }
0x37: {  	[tilespmem:s20], [sflag:$0x1] =	stream.indirect_vreg.gather [hbm:s3], $0x80, v0, vm1, $0x38;
	[tilespmem:$0x8100] =	vst v63  }
0x38: {  	s18 =	sadd.s32 $0x40, s18;
	v0 =	vld.msk [tilespmem:s19+$0x0 ss:$0x1], $0xffff  }
0x39: {  	_ =	sdelay $0x3  }
0x3a: {  	vm2 =	vgt.s32 v0, $0x0  }
0x3b: {  	v0 =	vnsel vm2, $0x0, v0  }
0x3c: {  	v0 =	vmin.u32 v0, $0x13FF  }
0x3d: {  	v0 =	vshll.u32 v0, $0x4;
	_ =	sdelay $0x3  }
0x3e: {  	s16 =	sadd.s32 $0x800, s17  }
0x3f: {  	[tilespmem:s16], [sflag:$0x1] =	stream.indirect_vreg.gather [hbm:s3], $0x80, v0, vm0, $0x38;
	[tilespmem:$0x8100] =	vst v63  }
0x40: {  	s16 =	sadd.s32 $0x400, s16  }
0x41: {  	[tilespmem:s16], [sflag:$0x1] =	stream.indirect_vreg.gather [hbm:s3], $0x80, v0, vm1, $0x38;
	[tilespmem:$0x8100] =	vst v63  }
0x42: {  	s13 =	sshll.u32 s13, $0x4;
	_ =	swait.ge [sflag:s6], $0x4000  }
0x43: {  	s13 =	sadd.s32 s13, s9;
	[sflag:s6] =	ssyncset.done $0x0  }
0x44: {  	s17 =	sadd.s32 $0x0, s13;
	s16 =	simm.s32 $0x80;
	[sflag:s6] =	ssyncadd.s32 $0xFFFFC000  }
.LBB2_5:
0x45: {  	[hbm:s17] =	stream.linear.scatter [tilespmem:s14], [sflag:$0x3], $0x400, $0x38;
	[tilespmem:$0x8100] =	vst v63  }
0x46: {  	s17 =	smov.u32 s16;
	s14 =	smov.u32 s15;
	p1 =	sne.s32 s16, $0x780  }
.Ltmp4:
0x47: {  	s16 =	sadd.s32 $0x80, s16;
	(pc) =	sbr.rel @p1 .LBB2_5-.Ltmp4, $2  }
0x48: {  	_ =	sdelay $0x2  }
0x49: {  	s15 =	sadd.s32 $0x400, s15;
	s17 =	sadd.s32 s17, s13  }
.Ltmp5:
0x4a: {  	_ = 	snop;
	(pc) =	sbr.rel .LBB2_6-.Ltmp5, $1  }
0x4b: {  	_ =	sdelay $0x3  }
.LBB2_8:
0x4c: {  	_ =	sfence.sel $0x180000  }
0x4d: {  	s2 =	simm.s32 $0x2;
	[bflag:$0x0] =	sbarrier.arrive $0xFFFF  }
0x4e: {  	s30 =	simm.s32 $0x3;
	[sflag:s2] =	ssyncpa.u1 $0x1  }
0x4f: {  	s31 =	simm.s32 $0x1;
	[sflag:s30] =	ssyncpa.u1 $0x1  }
0x50: {  	[sflag:s31] =	ssyncpa.u1 $0x1  }
0x51: {  	p0 =	sne.s32 s0, $0x0;
	_ =	strace $0x90000047  }
0x52: {  	s0 =	sadd.s32 @!p0 $0x100000, s1;
	[bflag:$0x2] =	sbarrier.arrive $0xFFFF  }
0x53: {  	[sflag:s0] =	ssyncadd.tile.s32 @!p0 $0x1;
	_ =	shalt  }
.Lfunc_end2:
_tile_overlayer_lowered:
.L_overlay_start_2:
0x54: {  	(tag) =	ssettag $0x2  }
0x55: {  	s0 =	rddreg [dreg:$0x0];
	s2 =	stileid.u32  }
0x56: {  	s1 =	rddreg [dreg:$0x1];
	p0 =	sne.s32 s2, $0x0  }
0x57: {  	s3 =	rddreg [dreg:$0x2];
	[bflag:$0x3] =	sbarrier.arrive $0xFFFF;
	s2 =	simm.s32 @!p0 $0x1C01  }
0x58: {  	[timem:s3], [sflag:s2] =	dma.local @!p0 [hbm:s0], s1  }
0x59: {  	s0 =	simm.s32 @!p0 $0x1  }
0x5a: {  	_ =	swait.ge @!p0 [sflag:s0], s1  }
0x5b: {  	s1 =	ssub.s32 @!p0 $0x0, s1;
	[sflag:s0] =	ssyncset.done @!p0 $0x0  }
0x5c: {  	[sflag:s0] =	ssyncadd.s32 @!p0 s1  }
0x5d: {  	[bflag:$0x3] =	sbarrier.arrive $0xFFFF  }
0x5e: {  	_ =	shalt  }

</sc_bundles>
